<compile_context>
chip_gen: v7x
topology: tpu7x:2x2x1
jax: 0.10.2.dev20260603
libtpu: 0.0.44.dev20260713+nightly
codegen_flags: <defaults>
</compile_context>

<pallas_src>
import functools

import jax
import jax.numpy as jnp
from jax import lax
from jax.experimental import pallas as pl
from jax.experimental.pallas import tpu as pltpu
from jax.experimental.pallas import tpu_sc as plsc

B = 16384
L = 200
E = 32
H = 64
O = 2

NC = 2
NS = 16
NW = NC * NS
RPW = B // NW
CB = 128
NCHUNK = RPW // CB
LAG = 32


def _sc_pool_sum(text, emb_table):
    mesh = plsc.VectorSubcoreMesh(core_axis_name="c", subcore_axis_name="s")

    @functools.partial(
        pl.kernel,
        mesh=mesh,
        out_type=jax.ShapeDtypeStruct((B, E), jnp.float32),
        scratch_types=[
            pltpu.VMEM((CB, L), jnp.int32),
            pltpu.VMEM((L, CB), jnp.int32),
            pltpu.VMEM((CB, E), jnp.float32),
            pltpu.SemaphoreType.DMA,
        ],
        compiler_params=pltpu.CompilerParams(
            use_tc_tiling_on_sc=False, needs_layout_passes=False),
    )
    def k(text_hbm, table_hbm, out_hbm, txt_v, idx_v, acc_v, gsem):
        cid = lax.axis_index("c")
        sid = lax.axis_index("s")
        wid = sid * NC + cid
        base = wid * RPW

        lane = lax.iota(jnp.int32, 16)
        zero = jnp.zeros((16,), jnp.float32)

        def issue(t):
            return pltpu.async_copy(
                table_hbm.at[idx_v.at[t]], acc_v, gsem, add=True)

        def drain(t):
            pltpu.make_async_copy(
                table_hbm.at[idx_v.at[t]], acc_v, gsem).wait()

        def chunk_body(ci, _):
            cbase = base + ci * CB

            pltpu.sync_copy(text_hbm.at[pl.ds(cbase, CB), :], txt_v)

            def zbody(i, _):
                acc_v[i, pl.ds(0, 16)] = zero
                acc_v[i, pl.ds(16, 16)] = zero
                return 0

            lax.fori_loop(0, CB, zbody, 0)

            def gbody(t, _):
                tcol = jnp.full((16,), t, jnp.int32)
                for r0 in range(CB // 16):
                    rows = lane + (r0 * 16)
                    vals = plsc.load_gather(txt_v, [rows, tcol])
                    idx_v[t, pl.ds(r0 * 16, 16)] = vals
                issue(t)

                @pl.when(t >= LAG)
                def _():
                    drain(t - LAG)

                return 0

            lax.fori_loop(0, L, gbody, 0)
            for tt in range(L - LAG, L):
                drain(tt)

            pltpu.sync_copy(acc_v, out_hbm.at[pl.ds(cbase, CB)])
            return 0

        lax.fori_loop(0, NCHUNK, chunk_body, 0)

    return k(text, emb_table)


def _mlp_kernel(x_ref, w1_ref, b1_ref, w2_ref, b2_ref, o_ref):
    x = x_ref[...] * (1.0 / L)
    h = jnp.dot(x, w1_ref[...], preferred_element_type=jnp.float32)
    h = jnp.maximum(h + b1_ref[...], 0.0)
    o = jnp.dot(h, w2_ref[...], preferred_element_type=jnp.float32)
    o = o + b2_ref[...]
    o_ref[...] = 1.0 / (1.0 + jnp.exp(-o))


def kernel(text, emb_table, W1, b1, W2, b2):
    pooled_sum = _sc_pool_sum(text.astype(jnp.int32), emb_table)

    bt = 2048
    out = pl.pallas_call(
        _mlp_kernel,
        out_shape=jax.ShapeDtypeStruct((B, O), jnp.float32),
        grid=(B // bt,),
        in_specs=[
            pl.BlockSpec((bt, E), lambda i: (i, 0)),
            pl.BlockSpec((E, H), lambda i: (0, 0)),
            pl.BlockSpec((1, H), lambda i: (0, 0)),
            pl.BlockSpec((H, O), lambda i: (0, 0)),
            pl.BlockSpec((1, O), lambda i: (0, 0)),
        ],
        out_specs=pl.BlockSpec((bt, O), lambda i: (i, 0)),
    )(pooled_sum, W1.T, b1[None, :], W2.T, b2[None, :])
    return out

# --- scband reference (transcript-rebuilt; emitter-appended) ---
"""Pipeline reference for scband-nlp-62019327754545 (READ-ONLY COPY).

The authoritative reference and input builder live on the scoring server;
editing this copy changes nothing except your own understanding.
"""

import jax, jax.numpy as jnp
import numpy as np

INPUT_DIM = 1000000
EMBED_DIM = 32
HIDDEN_DIM = 64
OUTPUT_DIM = 2
BATCH = 16384
HIST = 200

def setup_inputs(seed: int = 0) -> dict:
    key = jax.random.key(seed)
    k1, k2, k3, k4, k5, k6 = jax.random.split(key, 6)
    text = jax.random.randint(k1, (BATCH, HIST), 0, INPUT_DIM, dtype=jnp.int64 if jax.config.jax_enable_x64 else jnp.int32)
    emb_table = jax.random.normal(k2, (INPUT_DIM, EMBED_DIM), dtype=jnp.float32) * 0.05
    W1 = jax.random.normal(k3, (HIDDEN_DIM, EMBED_DIM), dtype=jnp.float32) * (1.0 / np.sqrt(EMBED_DIM))
    b1 = jnp.zeros((HIDDEN_DIM,), dtype=jnp.float32)
    W2 = jax.random.normal(k4, (OUTPUT_DIM, HIDDEN_DIM), dtype=jnp.float32) * (1.0 / np.sqrt(HIDDEN_DIM))
    b2 = jnp.zeros((OUTPUT_DIM,), dtype=jnp.float32)
    return {"text": text, "emb_table": emb_table, "W1": W1, "b1": b1, "W2": W2, "b2": b2}

def reference(text, emb_table, W1, b1, W2, b2):
    embedded = jnp.take(emb_table, text, axis=0)  # [B, L, E]
    embedded = jnp.mean(embedded, axis=1)         # [B, E]
    h = embedded @ W1.T + b1                      # [B, H]
    h = jax.nn.relu(h)
    out = h @ W2.T + b2                           # [B, O]
    out = jax.nn.sigmoid(out)
    return out

if __name__ == "__main__":
    import jax
    _d = setup_inputs()
    print(jax.jit(kernel)(*tuple(_d.values())))

</pallas_src>

<mosaic_0001>
#map = affine_map<(d0, d1) -> (0, 0)>
module attributes {stable_mosaic.version = 14 : i64} {
  func.func @k(%arg0: i32, %arg1: i32, %arg2: memref<16384x200xi32, #tpu.memory_space<hbm>>, %arg3: memref<1000000x32xf32, #tpu.memory_space<hbm>>, %arg4: memref<16384x32xf32, #tpu.memory_space<hbm>>, %arg5: memref<128x200xi32, #tpu.memory_space<vmem>>, %arg6: memref<200x128xi32, #tpu.memory_space<vmem>>, %arg7: memref<128x32xf32, #tpu.memory_space<vmem>>, %arg8: memref<!tpu.dma_semaphore, #tpu.memory_space<semaphore_mem>>) attributes {dimension_semantics = [#tpu.dimension_semantics<core_parallel>, #tpu.dimension_semantics<subcore_parallel>], iteration_bounds = array<i64: 2, 16>, scalar_prefetch = 0 : i64, scratch_operands = 4 : i64, tpu.core_type = #tpu.core_type<sc_vector_subcore>, window_params = [{transform_indices = #map}, {transform_indices = #map}, {transform_indices = #map}]} {
    %mul3A = arith.constant 2 : i32
    %mul3A_0 = arith.muli %arg1, %mul3A : i32
    %add3A = arith.addi %mul3A_0, %arg0 : i32
    %mul3A_1 = arith.constant 512 : i32
    %mul3A_2 = arith.muli %add3A, %mul3A_1 : i32
    %iota3A = tpu.iota {dimensions = array<i32: 0>} : vector<16xi32>
    %broadcast_in_dim3A = arith.constant 0.000000e+00 : f32
    %broadcast_in_dim3A_3 = vector.broadcast %broadcast_in_dim3A : f32 to vector<16xf32>
    %scan3A = arith.constant 0 : i32
    %scan3A_4 = arith.constant 0 : i32
    %scan3A_5 = arith.constant 4 : i32
    %scan3A_6 = arith.addi %scan3A_4, %scan3A_5 : i32
    %scan3A_7 = arith.constant 1 : i32
    %scan3A_8 = scf.for %scan3A_10 = %scan3A_4 to %scan3A_6 step %scan3A_7 iter_args(%scan3A_11 = %scan3A) -> (i32)  : i32 {
      %mul3A_12 = arith.constant 128 : i32
      %mul3A_13 = arith.muli %scan3A_10, %mul3A_12 : i32
      %add3A_14 = arith.addi %mul3A_2, %mul3A_13 : i32
      "tpu.region"() ({
        %run_scoped3A = tpu.sem_alloc : memref<!tpu.dma_semaphore, #tpu.memory_space<semaphore_mem>>
        %dma_start3A = arith.constant 0 : i32
        %dma_start3A_253 = tpu.memref_slice %arg2[%add3A_14, %dma_start3A] : memref<16384x200xi32, #tpu.memory_space<hbm>> -> memref<128x200xi32, #tpu.memory_space<hbm>>
        %dma_start3A_254 = arith.constant 0 : i32
        %dma_start3A_255 = tpu.memref_slice %arg2[%add3A_14, %dma_start3A_254] : memref<16384x200xi32, #tpu.memory_space<hbm>> -> memref<128x200xi32, #tpu.memory_space<hbm>>
        tpu.enqueue_dma source(%dma_start3A_255 : memref<128x200xi32, #tpu.memory_space<hbm>>) target(%arg5 : memref<128x200xi32, #tpu.memory_space<vmem>>) target_semaphore(%run_scoped3A : memref<!tpu.dma_semaphore, #tpu.memory_space<semaphore_mem>>)
        %dma_wait3A_256 = arith.constant 0 : i32
        %dma_wait3A_257 = tpu.memref_slice %arg2[%add3A_14, %dma_wait3A_256] : memref<16384x200xi32, #tpu.memory_space<hbm>> -> memref<128x200xi32, #tpu.memory_space<hbm>>
        %dma_wait3A_258 = arith.constant 0 : i32
        %dma_wait3A_259 = tpu.memref_slice %arg2[%add3A_14, %dma_wait3A_258] : memref<16384x200xi32, #tpu.memory_space<hbm>> -> memref<128x200xi32, #tpu.memory_space<hbm>>
        tpu.wait_dma2 semaphore(%run_scoped3A : memref<!tpu.dma_semaphore, #tpu.memory_space<semaphore_mem>>) src(%dma_wait3A_259 : memref<128x200xi32, #tpu.memory_space<hbm>>) dst(%arg5 : memref<128x200xi32, #tpu.memory_space<vmem>>)
        tpu.yield
      }) : () -> ()
      %scan3A_15 = arith.constant 0 : i32
      %scan3A_16 = arith.constant 0 : i32
      %scan3A_17 = arith.constant 128 : i32
      %scan3A_18 = arith.addi %scan3A_16, %scan3A_17 : i32
      %scan3A_19 = arith.constant 1 : i32
      %scan3A_20 = scf.for %scan3A_253 = %scan3A_16 to %scan3A_18 step %scan3A_19 iter_args(%scan3A_254 = %scan3A_15) -> (i32)  : i32 {
        %swap3A = arith.index_cast %scan3A_253 : i32 to index
        %swap3A_255 = arith.constant 0 : index
        %swap3A_256 = tpu.vector_load %arg7[%swap3A, %swap3A_255] {strides = array<i32>} : memref<128x32xf32, #tpu.memory_space<vmem>>, vector<16xf32>,
        tpu.vector_store %arg7[%swap3A, %swap3A_255], %broadcast_in_dim3A_3 {strides = array<i32>} : memref<128x32xf32, #tpu.memory_space<vmem>>, vector<16xf32>,
        %swap3A_257 = arith.index_cast %scan3A_253 : i32 to index
        %swap3A_258 = arith.constant 16 : index
        %swap3A_259 = tpu.vector_load %arg7[%swap3A_257, %swap3A_258] {strides = array<i32>} : memref<128x32xf32, #tpu.memory_space<vmem>>, vector<16xf32>,
        tpu.vector_store %arg7[%swap3A_257, %swap3A_258], %broadcast_in_dim3A_3 {strides = array<i32>} : memref<128x32xf32, #tpu.memory_space<vmem>>, vector<16xf32>,
        %scan3A_260 = arith.constant 0 : i32
        scf.yield %scan3A_260 : i32
      }
      %scan3A_21 = arith.constant 128 : i32
      %scan3A_22 = arith.constant 0 : i32
      %scan3A_23 = arith.constant 0 : i32
      %scan3A_24 = arith.constant 200 : i32
      %scan3A_25 = arith.addi %scan3A_23, %scan3A_24 : i32
      %scan3A_26 = arith.constant 1 : i32
      %scan3A_27 = scf.for %scan3A_253 = %scan3A_23 to %scan3A_25 step %scan3A_26 iter_args(%scan3A_254 = %scan3A_22) -> (i32)  : i32 {
        %broadcast_in_dim3A_255 = vector.broadcast %scan3A_253 : i32 to vector<16xi32>
        %add3A_256 = arith.constant 0 : i32
        %add3A_257 = vector.broadcast %add3A_256 : i32 to vector<16xi32>
        %add3A_258 = arith.addi %iota3A, %add3A_257 : vector<16xi32>
        %gather3A = tpu.vector_load_idx %arg5[%add3A_258, %broadcast_in_dim3A_255] : memref<128x200xi32, #tpu.memory_space<vmem>>[vector<16xi32>, vector<16xi32>], vector<16xi32>,
        %swap3A = arith.index_cast %scan3A_253 : i32 to index
        %swap3A_259 = arith.constant 0 : index
        %swap3A_260 = tpu.vector_load %arg6[%swap3A, %swap3A_259] {strides = array<i32>} : memref<200x128xi32, #tpu.memory_space<vmem>>, vector<16xi32>,
        tpu.vector_store %arg6[%swap3A, %swap3A_259], %gather3A {strides = array<i32>} : memref<200x128xi32, #tpu.memory_space<vmem>>, vector<16xi32>,
        %add3A_261 = arith.constant 16 : i32
        %add3A_262 = vector.broadcast %add3A_261 : i32 to vector<16xi32>
        %add3A_263 = arith.addi %iota3A, %add3A_262 : vector<16xi32>
        %gather3A_264 = tpu.vector_load_idx %arg5[%add3A_263, %broadcast_in_dim3A_255] : memref<128x200xi32, #tpu.memory_space<vmem>>[vector<16xi32>, vector<16xi32>], vector<16xi32>,
        %swap3A_265 = arith.index_cast %scan3A_253 : i32 to index
        %swap3A_266 = arith.constant 16 : index
        %swap3A_267 = tpu.vector_load %arg6[%swap3A_265, %swap3A_266] {strides = array<i32>} : memref<200x128xi32, #tpu.memory_space<vmem>>, vector<16xi32>,
        tpu.vector_store %arg6[%swap3A_265, %swap3A_266], %gather3A_264 {strides = array<i32>} : memref<200x128xi32, #tpu.memory_space<vmem>>, vector<16xi32>,
        %add3A_268 = arith.constant 32 : i32
        %add3A_269 = vector.broadcast %add3A_268 : i32 to vector<16xi32>
        %add3A_270 = arith.addi %iota3A, %add3A_269 : vector<16xi32>
        %gather3A_271 = tpu.vector_load_idx %arg5[%add3A_270, %broadcast_in_dim3A_255] : memref<128x200xi32, #tpu.memory_space<vmem>>[vector<16xi32>, vector<16xi32>], vector<16xi32>,
        %swap3A_272 = arith.index_cast %scan3A_253 : i32 to index
        %swap3A_273 = arith.constant 32 : index
        %swap3A_274 = tpu.vector_load %arg6[%swap3A_272, %swap3A_273] {strides = array<i32>} : memref<200x128xi32, #tpu.memory_space<vmem>>, vector<16xi32>,
        tpu.vector_store %arg6[%swap3A_272, %swap3A_273], %gather3A_271 {strides = array<i32>} : memref<200x128xi32, #tpu.memory_space<vmem>>, vector<16xi32>,
        %add3A_275 = arith.constant 48 : i32
        %add3A_276 = vector.broadcast %add3A_275 : i32 to vector<16xi32>
        %add3A_277 = arith.addi %iota3A, %add3A_276 : vector<16xi32>
        %gather3A_278 = tpu.vector_load_idx %arg5[%add3A_277, %broadcast_in_dim3A_255] : memref<128x200xi32, #tpu.memory_space<vmem>>[vector<16xi32>, vector<16xi32>], vector<16xi32>,
        %swap3A_279 = arith.index_cast %scan3A_253 : i32 to index
        %swap3A_280 = arith.constant 48 : index
        %swap3A_281 = tpu.vector_load %arg6[%swap3A_279, %swap3A_280] {strides = array<i32>} : memref<200x128xi32, #tpu.memory_space<vmem>>, vector<16xi32>,
        tpu.vector_store %arg6[%swap3A_279, %swap3A_280], %gather3A_278 {strides = array<i32>} : memref<200x128xi32, #tpu.memory_space<vmem>>, vector<16xi32>,
        %add3A_282 = arith.constant 64 : i32
        %add3A_283 = vector.broadcast %add3A_282 : i32 to vector<16xi32>
        %add3A_284 = arith.addi %iota3A, %add3A_283 : vector<16xi32>
        %gather3A_285 = tpu.vector_load_idx %arg5[%add3A_284, %broadcast_in_dim3A_255] : memref<128x200xi32, #tpu.memory_space<vmem>>[vector<16xi32>, vector<16xi32>], vector<16xi32>,
        %swap3A_286 = arith.index_cast %scan3A_253 : i32 to index
        %swap3A_287 = arith.constant 64 : index
        %swap3A_288 = tpu.vector_load %arg6[%swap3A_286, %swap3A_287] {strides = array<i32>} : memref<200x128xi32, #tpu.memory_space<vmem>>, vector<16xi32>,
        tpu.vector_store %arg6[%swap3A_286, %swap3A_287], %gather3A_285 {strides = array<i32>} : memref<200x128xi32, #tpu.memory_space<vmem>>, vector<16xi32>,
        %add3A_289 = arith.constant 80 : i32
        %add3A_290 = vector.broadcast %add3A_289 : i32 to vector<16xi32>
        %add3A_291 = arith.addi %iota3A, %add3A_290 : vector<16xi32>
        %gather3A_292 = tpu.vector_load_idx %arg5[%add3A_291, %broadcast_in_dim3A_255] : memref<128x200xi32, #tpu.memory_space<vmem>>[vector<16xi32>, vector<16xi32>], vector<16xi32>,
        %swap3A_293 = arith.index_cast %scan3A_253 : i32 to index
        %swap3A_294 = arith.constant 80 : index
        %swap3A_295 = tpu.vector_load %arg6[%swap3A_293, %swap3A_294] {strides = array<i32>} : memref<200x128xi32, #tpu.memory_space<vmem>>, vector<16xi32>,
        tpu.vector_store %arg6[%swap3A_293, %swap3A_294], %gather3A_292 {strides = array<i32>} : memref<200x128xi32, #tpu.memory_space<vmem>>, vector<16xi32>,
        %add3A_296 = arith.constant 96 : i32
        %add3A_297 = vector.broadcast %add3A_296 : i32 to vector<16xi32>
        %add3A_298 = arith.addi %iota3A, %add3A_297 : vector<16xi32>
        %gather3A_299 = tpu.vector_load_idx %arg5[%add3A_298, %broadcast_in_dim3A_255] : memref<128x200xi32, #tpu.memory_space<vmem>>[vector<16xi32>, vector<16xi32>], vector<16xi32>,
        %swap3A_300 = arith.index_cast %scan3A_253 : i32 to index
        %swap3A_301 = arith.constant 96 : index
        %swap3A_302 = tpu.vector_load %arg6[%swap3A_300, %swap3A_301] {strides = array<i32>} : memref<200x128xi32, #tpu.memory_space<vmem>>, vector<16xi32>,
        tpu.vector_store %arg6[%swap3A_300, %swap3A_301], %gather3A_299 {strides = array<i32>} : memref<200x128xi32, #tpu.memory_space<vmem>>, vector<16xi32>,
        %add3A_303 = arith.constant 112 : i32
        %add3A_304 = vector.broadcast %add3A_303 : i32 to vector<16xi32>
        %add3A_305 = arith.addi %iota3A, %add3A_304 : vector<16xi32>
        %gather3A_306 = tpu.vector_load_idx %arg5[%add3A_305, %broadcast_in_dim3A_255] : memref<128x200xi32, #tpu.memory_space<vmem>>[vector<16xi32>, vector<16xi32>], vector<16xi32>,
        %swap3A_307 = arith.index_cast %scan3A_253 : i32 to index
        %swap3A_308 = arith.constant 112 : index
        %swap3A_309 = tpu.vector_load %arg6[%swap3A_307, %swap3A_308] {strides = array<i32>} : memref<200x128xi32, #tpu.memory_space<vmem>>, vector<16xi32>,
        tpu.vector_store %arg6[%swap3A_307, %swap3A_308], %gather3A_306 {strides = array<i32>} : memref<200x128xi32, #tpu.memory_space<vmem>>, vector<16xi32>,
        %dma_start3A = arith.constant 0 : i32
        %dma_start3A_310 = tpu.memref_slice %arg6[%scan3A_253, %dma_start3A] : memref<200x128xi32, #tpu.memory_space<vmem>> -> memref<1x128xi32, #tpu.memory_space<vmem>>
        %dma_start3A_311 = tpu.memref_squeeze %dma_start3A_310 : memref<1x128xi32, #tpu.memory_space<vmem>> -> memref<128xi32, #tpu.memory_space<vmem>>
        %dma_start3A_312 = arith.constant 0 : i32
        %dma_start3A_313 = arith.constant 0 : i32
        %dma_start3A_314 = tpu.memref_slice %arg3[%dma_start3A_312, %dma_start3A_313] : memref<1000000x32xf32, #tpu.memory_space<hbm>> -> memref<1000000x32xf32, #tpu.memory_space<hbm>>
        tpu.enqueue_indirect_dma source(%dma_start3A_314 : memref<1000000x32xf32, #tpu.memory_space<hbm>>) target(%arg7 : memref<128x32xf32, #tpu.memory_space<vmem>>) offsets(%dma_start3A_311 : memref<128xi32, #tpu.memory_space<vmem>>) semaphore(%arg8 : memref<!tpu.dma_semaphore, #tpu.memory_space<semaphore_mem>>) {add = true}
        %ge3A = arith.constant 32 : i32
        %ge3A_315 = arith.cmpi sge, %scan3A_253, %ge3A : i32
        %convert_element_type3A = arith.extui %ge3A_315 : i1 to i32
        %cond3A = arith.constant 0 : i32
        %cond3A_316 = arith.cmpi ne, %convert_element_type3A, %cond3A : i32
        scf.if %cond3A_316 {
          %sub3A = arith.constant 32 : i32
          %sub3A_318 = arith.subi %scan3A_253, %sub3A : i32
          %dma_wait3A_319 = arith.constant 0 : i32
          %dma_wait3A_320 = tpu.memref_slice %arg6[%sub3A_318, %dma_wait3A_319] : memref<200x128xi32, #tpu.memory_space<vmem>> -> memref<1x128xi32, #tpu.memory_space<vmem>>
          %dma_wait3A_321 = tpu.memref_squeeze %dma_wait3A_320 : memref<1x128xi32, #tpu.memory_space<vmem>> -> memref<128xi32, #tpu.memory_space<vmem>>
          %dma_wait3A_322 = arith.constant 0 : i32
          %dma_wait3A_323 = arith.constant 0 : i32
          %dma_wait3A_324 = tpu.memref_slice %arg3[%dma_wait3A_322, %dma_wait3A_323] : memref<1000000x32xf32, #tpu.memory_space<hbm>> -> memref<1000000x32xf32, #tpu.memory_space<hbm>>
          tpu.wait_indirect_dma semaphore(%arg8 : memref<!tpu.dma_semaphore, #tpu.memory_space<semaphore_mem>>) src(%dma_wait3A_324 : memref<1000000x32xf32, #tpu.memory_space<hbm>>) dst(%arg7 : memref<128x32xf32, #tpu.memory_space<vmem>>)
        } else {
        }
        %scan3A_317 = arith.constant 0 : i32
        scf.yield %scan3A_317 : i32
      }
      %scan3A_28 = arith.constant 200 : i32
      %dma_wait3A = arith.constant 168 : i32
      %dma_wait3A_29 = arith.constant 0 : i32
      %dma_wait3A_30 = tpu.memref_slice %arg6[%dma_wait3A, %dma_wait3A_29] : memref<200x128xi32, #tpu.memory_space<vmem>> -> memref<1x128xi32, #tpu.memory_space<vmem>>
      %dma_wait3A_31 = tpu.memref_squeeze %dma_wait3A_30 : memref<1x128xi32, #tpu.memory_space<vmem>> -> memref<128xi32, #tpu.memory_space<vmem>>
      %dma_wait3A_32 = arith.constant 0 : i32
      %dma_wait3A_33 = arith.constant 0 : i32
      %dma_wait3A_34 = tpu.memref_slice %arg3[%dma_wait3A_32, %dma_wait3A_33] : memref<1000000x32xf32, #tpu.memory_space<hbm>> -> memref<1000000x32xf32, #tpu.memory_space<hbm>>
      tpu.wait_indirect_dma semaphore(%arg8 : memref<!tpu.dma_semaphore, #tpu.memory_space<semaphore_mem>>) src(%dma_wait3A_34 : memref<1000000x32xf32, #tpu.memory_space<hbm>>) dst(%arg7 : memref<128x32xf32, #tpu.memory_space<vmem>>)
      %dma_wait3A_35 = arith.constant 169 : i32
      %dma_wait3A_36 = arith.constant 0 : i32
      %dma_wait3A_37 = tpu.memref_slice %arg6[%dma_wait3A_35, %dma_wait3A_36] : memref<200x128xi32, #tpu.memory_space<vmem>> -> memref<1x128xi32, #tpu.memory_space<vmem>>
      %dma_wait3A_38 = tpu.memref_squeeze %dma_wait3A_37 : memref<1x128xi32, #tpu.memory_space<vmem>> -> memref<128xi32, #tpu.memory_space<vmem>>
      %dma_wait3A_39 = arith.constant 0 : i32
      %dma_wait3A_40 = arith.constant 0 : i32
      %dma_wait3A_41 = tpu.memref_slice %arg3[%dma_wait3A_39, %dma_wait3A_40] : memref<1000000x32xf32, #tpu.memory_space<hbm>> -> memref<1000000x32xf32, #tpu.memory_space<hbm>>
      tpu.wait_indirect_dma semaphore(%arg8 : memref<!tpu.dma_semaphore, #tpu.memory_space<semaphore_mem>>) src(%dma_wait3A_41 : memref<1000000x32xf32, #tpu.memory_space<hbm>>) dst(%arg7 : memref<128x32xf32, #tpu.memory_space<vmem>>)
      %dma_wait3A_42 = arith.constant 170 : i32
      %dma_wait3A_43 = arith.constant 0 : i32
      %dma_wait3A_44 = tpu.memref_slice %arg6[%dma_wait3A_42, %dma_wait3A_43] : memref<200x128xi32, #tpu.memory_space<vmem>> -> memref<1x128xi32, #tpu.memory_space<vmem>>
      %dma_wait3A_45 = tpu.memref_squeeze %dma_wait3A_44 : memref<1x128xi32, #tpu.memory_space<vmem>> -> memref<128xi32, #tpu.memory_space<vmem>>
      %dma_wait3A_46 = arith.constant 0 : i32
      %dma_wait3A_47 = arith.constant 0 : i32
      %dma_wait3A_48 = tpu.memref_slice %arg3[%dma_wait3A_46, %dma_wait3A_47] : memref<1000000x32xf32, #tpu.memory_space<hbm>> -> memref<1000000x32xf32, #tpu.memory_space<hbm>>
      tpu.wait_indirect_dma semaphore(%arg8 : memref<!tpu.dma_semaphore, #tpu.memory_space<semaphore_mem>>) src(%dma_wait3A_48 : memref<1000000x32xf32, #tpu.memory_space<hbm>>) dst(%arg7 : memref<128x32xf32, #tpu.memory_space<vmem>>)
      %dma_wait3A_49 = arith.constant 171 : i32
      %dma_wait3A_50 = arith.constant 0 : i32
      %dma_wait3A_51 = tpu.memref_slice %arg6[%dma_wait3A_49, %dma_wait3A_50] : memref<200x128xi32, #tpu.memory_space<vmem>> -> memref<1x128xi32, #tpu.memory_space<vmem>>
      %dma_wait3A_52 = tpu.memref_squeeze %dma_wait3A_51 : memref<1x128xi32, #tpu.memory_space<vmem>> -> memref<128xi32, #tpu.memory_space<vmem>>
      %dma_wait3A_53 = arith.constant 0 : i32
      %dma_wait3A_54 = arith.constant 0 : i32
      %dma_wait3A_55 = tpu.memref_slice %arg3[%dma_wait3A_53, %dma_wait3A_54] : memref<1000000x32xf32, #tpu.memory_space<hbm>> -> memref<1000000x32xf32, #tpu.memory_space<hbm>>
      tpu.wait_indirect_dma semaphore(%arg8 : memref<!tpu.dma_semaphore, #tpu.memory_space<semaphore_mem>>) src(%dma_wait3A_55 : memref<1000000x32xf32, #tpu.memory_space<hbm>>) dst(%arg7 : memref<128x32xf32, #tpu.memory_space<vmem>>)
      %dma_wait3A_56 = arith.constant 172 : i32
      %dma_wait3A_57 = arith.constant 0 : i32
      %dma_wait3A_58 = tpu.memref_slice %arg6[%dma_wait3A_56, %dma_wait3A_57] : memref<200x128xi32, #tpu.memory_space<vmem>> -> memref<1x128xi32, #tpu.memory_space<vmem>>
      %dma_wait3A_59 = tpu.memref_squeeze %dma_wait3A_58 : memref<1x128xi32, #tpu.memory_space<vmem>> -> memref<128xi32, #tpu.memory_space<vmem>>
      %dma_wait3A_60 = arith.constant 0 : i32
      %dma_wait3A_61 = arith.constant 0 : i32
      %dma_wait3A_62 = tpu.memref_slice %arg3[%dma_wait3A_60, %dma_wait3A_61] : memref<1000000x32xf32, #tpu.memory_space<hbm>> -> memref<1000000x32xf32, #tpu.memory_space<hbm>>
      tpu.wait_indirect_dma semaphore(%arg8 : memref<!tpu.dma_semaphore, #tpu.memory_space<semaphore_mem>>) src(%dma_wait3A_62 : memref<1000000x32xf32, #tpu.memory_space<hbm>>) dst(%arg7 : memref<128x32xf32, #tpu.memory_space<vmem>>)
      %dma_wait3A_63 = arith.constant 173 : i32
      %dma_wait3A_64 = arith.constant 0 : i32
      %dma_wait3A_65 = tpu.memref_slice %arg6[%dma_wait3A_63, %dma_wait3A_64] : memref<200x128xi32, #tpu.memory_space<vmem>> -> memref<1x128xi32, #tpu.memory_space<vmem>>
      %dma_wait3A_66 = tpu.memref_squeeze %dma_wait3A_65 : memref<1x128xi32, #tpu.memory_space<vmem>> -> memref<128xi32, #tpu.memory_space<vmem>>
      %dma_wait3A_67 = arith.constant 0 : i32
      %dma_wait3A_68 = arith.constant 0 : i32
      %dma_wait3A_69 = tpu.memref_slice %arg3[%dma_wait3A_67, %dma_wait3A_68] : memref<1000000x32xf32, #tpu.memory_space<hbm>> -> memref<1000000x32xf32, #tpu.memory_space<hbm>>
      tpu.wait_indirect_dma semaphore(%arg8 : memref<!tpu.dma_semaphore, #tpu.memory_space<semaphore_mem>>) src(%dma_wait3A_69 : memref<1000000x32xf32, #tpu.memory_space<hbm>>) dst(%arg7 : memref<128x32xf32, #tpu.memory_space<vmem>>)
      %dma_wait3A_70 = arith.constant 174 : i32
      %dma_wait3A_71 = arith.constant 0 : i32
      %dma_wait3A_72 = tpu.memref_slice %arg6[%dma_wait3A_70, %dma_wait3A_71] : memref<200x128xi32, #tpu.memory_space<vmem>> -> memref<1x128xi32, #tpu.memory_space<vmem>>
      %dma_wait3A_73 = tpu.memref_squeeze %dma_wait3A_72 : memref<1x128xi32, #tpu.memory_space<vmem>> -> memref<128xi32, #tpu.memory_space<vmem>>
      %dma_wait3A_74 = arith.constant 0 : i32
      %dma_wait3A_75 = arith.constant 0 : i32
      %dma_wait3A_76 = tpu.memref_slice %arg3[%dma_wait3A_74, %dma_wait3A_75] : memref<1000000x32xf32, #tpu.memory_space<hbm>> -> memref<1000000x32xf32, #tpu.memory_space<hbm>>
      tpu.wait_indirect_dma semaphore(%arg8 : memref<!tpu.dma_semaphore, #tpu.memory_space<semaphore_mem>>) src(%dma_wait3A_76 : memref<1000000x32xf32, #tpu.memory_space<hbm>>) dst(%arg7 : memref<128x32xf32, #tpu.memory_space<vmem>>)
      %dma_wait3A_77 = arith.constant 175 : i32
      %dma_wait3A_78 = arith.constant 0 : i32
      %dma_wait3A_79 = tpu.memref_slice %arg6[%dma_wait3A_77, %dma_wait3A_78] : memref<200x128xi32, #tpu.memory_space<vmem>> -> memref<1x128xi32, #tpu.memory_space<vmem>>
      %dma_wait3A_80 = tpu.memref_squeeze %dma_wait3A_79 : memref<1x128xi32, #tpu.memory_space<vmem>> -> memref<128xi32, #tpu.memory_space<vmem>>
      %dma_wait3A_81 = arith.constant 0 : i32
      %dma_wait3A_82 = arith.constant 0 : i32
      %dma_wait3A_83 = tpu.memref_slice %arg3[%dma_wait3A_81, %dma_wait3A_82] : memref<1000000x32xf32, #tpu.memory_space<hbm>> -> memref<1000000x32xf32, #tpu.memory_space<hbm>>
      tpu.wait_indirect_dma semaphore(%arg8 : memref<!tpu.dma_semaphore, #tpu.memory_space<semaphore_mem>>) src(%dma_wait3A_83 : memref<1000000x32xf32, #tpu.memory_space<hbm>>) dst(%arg7 : memref<128x32xf32, #tpu.memory_space<vmem>>)
      %dma_wait3A_84 = arith.constant 176 : i32
      %dma_wait3A_85 = arith.constant 0 : i32
      %dma_wait3A_86 = tpu.memref_slice %arg6[%dma_wait3A_84, %dma_wait3A_85] : memref<200x128xi32, #tpu.memory_space<vmem>> -> memref<1x128xi32, #tpu.memory_space<vmem>>
      %dma_wait3A_87 = tpu.memref_squeeze %dma_wait3A_86 : memref<1x128xi32, #tpu.memory_space<vmem>> -> memref<128xi32, #tpu.memory_space<vmem>>
      %dma_wait3A_88 = arith.constant 0 : i32
      %dma_wait3A_89 = arith.constant 0 : i32
      %dma_wait3A_90 = tpu.memref_slice %arg3[%dma_wait3A_88, %dma_wait3A_89] : memref<1000000x32xf32, #tpu.memory_space<hbm>> -> memref<1000000x32xf32, #tpu.memory_space<hbm>>
      tpu.wait_indirect_dma semaphore(%arg8 : memref<!tpu.dma_semaphore, #tpu.memory_space<semaphore_mem>>) src(%dma_wait3A_90 : memref<1000000x32xf32, #tpu.memory_space<hbm>>) dst(%arg7 : memref<128x32xf32, #tpu.memory_space<vmem>>)
      %dma_wait3A_91 = arith.constant 177 : i32
      %dma_wait3A_92 = arith.constant 0 : i32
      %dma_wait3A_93 = tpu.memref_slice %arg6[%dma_wait3A_91, %dma_wait3A_92] : memref<200x128xi32, #tpu.memory_space<vmem>> -> memref<1x128xi32, #tpu.memory_space<vmem>>
      %dma_wait3A_94 = tpu.memref_squeeze %dma_wait3A_93 : memref<1x128xi32, #tpu.memory_space<vmem>> -> memref<128xi32, #tpu.memory_space<vmem>>
      %dma_wait3A_95 = arith.constant 0 : i32
      %dma_wait3A_96 = arith.constant 0 : i32
      %dma_wait3A_97 = tpu.memref_slice %arg3[%dma_wait3A_95, %dma_wait3A_96] : memref<1000000x32xf32, #tpu.memory_space<hbm>> -> memref<1000000x32xf32, #tpu.memory_space<hbm>>
      tpu.wait_indirect_dma semaphore(%arg8 : memref<!tpu.dma_semaphore, #tpu.memory_space<semaphore_mem>>) src(%dma_wait3A_97 : memref<1000000x32xf32, #tpu.memory_space<hbm>>) dst(%arg7 : memref<128x32xf32, #tpu.memory_space<vmem>>)
      %dma_wait3A_98 = arith.constant 178 : i32
      %dma_wait3A_99 = arith.constant 0 : i32
      %dma_wait3A_100 = tpu.memref_slice %arg6[%dma_wait3A_98, %dma_wait3A_99] : memref<200x128xi32, #tpu.memory_space<vmem>> -> memref<1x128xi32, #tpu.memory_space<vmem>>
      %dma_wait3A_101 = tpu.memref_squeeze %dma_wait3A_100 : memref<1x128xi32, #tpu.memory_space<vmem>> -> memref<128xi32, #tpu.memory_space<vmem>>
      %dma_wait3A_102 = arith.constant 0 : i32
      %dma_wait3A_103 = arith.constant 0 : i32
      %dma_wait3A_104 = tpu.memref_slice %arg3[%dma_wait3A_102, %dma_wait3A_103] : memref<1000000x32xf32, #tpu.memory_space<hbm>> -> memref<1000000x32xf32, #tpu.memory_space<hbm>>
      tpu.wait_indirect_dma semaphore(%arg8 : memref<!tpu.dma_semaphore, #tpu.memory_space<semaphore_mem>>) src(%dma_wait3A_104 : memref<1000000x32xf32, #tpu.memory_space<hbm>>) dst(%arg7 : memref<128x32xf32, #tpu.memory_space<vmem>>)
      %dma_wait3A_105 = arith.constant 179 : i32
      %dma_wait3A_106 = arith.constant 0 : i32
      %dma_wait3A_107 = tpu.memref_slice %arg6[%dma_wait3A_105, %dma_wait3A_106] : memref<200x128xi32, #tpu.memory_space<vmem>> -> memref<1x128xi32, #tpu.memory_space<vmem>>
      %dma_wait3A_108 = tpu.memref_squeeze %dma_wait3A_107 : memref<1x128xi32, #tpu.memory_space<vmem>> -> memref<128xi32, #tpu.memory_space<vmem>>
      %dma_wait3A_109 = arith.constant 0 : i32
      %dma_wait3A_110 = arith.constant 0 : i32
      %dma_wait3A_111 = tpu.memref_slice %arg3[%dma_wait3A_109, %dma_wait3A_110] : memref<1000000x32xf32, #tpu.memory_space<hbm>> -> memref<1000000x32xf32, #tpu.memory_space<hbm>>
      tpu.wait_indirect_dma semaphore(%arg8 : memref<!tpu.dma_semaphore, #tpu.memory_space<semaphore_mem>>) src(%dma_wait3A_111 : memref<1000000x32xf32, #tpu.memory_space<hbm>>) dst(%arg7 : memref<128x32xf32, #tpu.memory_space<vmem>>)
      %dma_wait3A_112 = arith.constant 180 : i32
      %dma_wait3A_113 = arith.constant 0 : i32
      %dma_wait3A_114 = tpu.memref_slice %arg6[%dma_wait3A_112, %dma_wait3A_113] : memref<200x128xi32, #tpu.memory_space<vmem>> -> memref<1x128xi32, #tpu.memory_space<vmem>>
      %dma_wait3A_115 = tpu.memref_squeeze %dma_wait3A_114 : memref<1x128xi32, #tpu.memory_space<vmem>> -> memref<128xi32, #tpu.memory_space<vmem>>
      %dma_wait3A_116 = arith.constant 0 : i32
      %dma_wait3A_117 = arith.constant 0 : i32
      %dma_wait3A_118 = tpu.memref_slice %arg3[%dma_wait3A_116, %dma_wait3A_117] : memref<1000000x32xf32, #tpu.memory_space<hbm>> -> memref<1000000x32xf32, #tpu.memory_space<hbm>>
      tpu.wait_indirect_dma semaphore(%arg8 : memref<!tpu.dma_semaphore, #tpu.memory_space<semaphore_mem>>) src(%dma_wait3A_118 : memref<1000000x32xf32, #tpu.memory_space<hbm>>) dst(%arg7 : memref<128x32xf32, #tpu.memory_space<vmem>>)
      %dma_wait3A_119 = arith.constant 181 : i32
      %dma_wait3A_120 = arith.constant 0 : i32
      %dma_wait3A_121 = tpu.memref_slice %arg6[%dma_wait3A_119, %dma_wait3A_120] : memref<200x128xi32, #tpu.memory_space<vmem>> -> memref<1x128xi32, #tpu.memory_space<vmem>>
      %dma_wait3A_122 = tpu.memref_squeeze %dma_wait3A_121 : memref<1x128xi32, #tpu.memory_space<vmem>> -> memref<128xi32, #tpu.memory_space<vmem>>
      %dma_wait3A_123 = arith.constant 0 : i32
      %dma_wait3A_124 = arith.constant 0 : i32
      %dma_wait3A_125 = tpu.memref_slice %arg3[%dma_wait3A_123, %dma_wait3A_124] : memref<1000000x32xf32, #tpu.memory_space<hbm>> -> memref<1000000x32xf32, #tpu.memory_space<hbm>>
      tpu.wait_indirect_dma semaphore(%arg8 : memref<!tpu.dma_semaphore, #tpu.memory_space<semaphore_mem>>) src(%dma_wait3A_125 : memref<1000000x32xf32, #tpu.memory_space<hbm>>) dst(%arg7 : memref<128x32xf32, #tpu.memory_space<vmem>>)
      %dma_wait3A_126 = arith.constant 182 : i32
      %dma_wait3A_127 = arith.constant 0 : i32
      %dma_wait3A_128 = tpu.memref_slice %arg6[%dma_wait3A_126, %dma_wait3A_127] : memref<200x128xi32, #tpu.memory_space<vmem>> -> memref<1x128xi32, #tpu.memory_space<vmem>>
      %dma_wait3A_129 = tpu.memref_squeeze %dma_wait3A_128 : memref<1x128xi32, #tpu.memory_space<vmem>> -> memref<128xi32, #tpu.memory_space<vmem>>
      %dma_wait3A_130 = arith.constant 0 : i32
      %dma_wait3A_131 = arith.constant 0 : i32
      %dma_wait3A_132 = tpu.memref_slice %arg3[%dma_wait3A_130, %dma_wait3A_131] : memref<1000000x32xf32, #tpu.memory_space<hbm>> -> memref<1000000x32xf32, #tpu.memory_space<hbm>>
      tpu.wait_indirect_dma semaphore(%arg8 : memref<!tpu.dma_semaphore, #tpu.memory_space<semaphore_mem>>) src(%dma_wait3A_132 : memref<1000000x32xf32, #tpu.memory_space<hbm>>) dst(%arg7 : memref<128x32xf32, #tpu.memory_space<vmem>>)
      %dma_wait3A_133 = arith.constant 183 : i32
      %dma_wait3A_134 = arith.constant 0 : i32
      %dma_wait3A_135 = tpu.memref_slice %arg6[%dma_wait3A_133, %dma_wait3A_134] : memref<200x128xi32, #tpu.memory_space<vmem>> -> memref<1x128xi32, #tpu.memory_space<vmem>>
      %dma_wait3A_136 = tpu.memref_squeeze %dma_wait3A_135 : memref<1x128xi32, #tpu.memory_space<vmem>> -> memref<128xi32, #tpu.memory_space<vmem>>
      %dma_wait3A_137 = arith.constant 0 : i32
      %dma_wait3A_138 = arith.constant 0 : i32
      %dma_wait3A_139 = tpu.memref_slice %arg3[%dma_wait3A_137, %dma_wait3A_138] : memref<1000000x32xf32, #tpu.memory_space<hbm>> -> memref<1000000x32xf32, #tpu.memory_space<hbm>>
      tpu.wait_indirect_dma semaphore(%arg8 : memref<!tpu.dma_semaphore, #tpu.memory_space<semaphore_mem>>) src(%dma_wait3A_139 : memref<1000000x32xf32, #tpu.memory_space<hbm>>) dst(%arg7 : memref<128x32xf32, #tpu.memory_space<vmem>>)
      %dma_wait3A_140 = arith.constant 184 : i32
      %dma_wait3A_141 = arith.constant 0 : i32
      %dma_wait3A_142 = tpu.memref_slice %arg6[%dma_wait3A_140, %dma_wait3A_141] : memref<200x128xi32, #tpu.memory_space<vmem>> -> memref<1x128xi32, #tpu.memory_space<vmem>>
      %dma_wait3A_143 = tpu.memref_squeeze %dma_wait3A_142 : memref<1x128xi32, #tpu.memory_space<vmem>> -> memref<128xi32, #tpu.memory_space<vmem>>
      %dma_wait3A_144 = arith.constant 0 : i32
      %dma_wait3A_145 = arith.constant 0 : i32
      %dma_wait3A_146 = tpu.memref_slice %arg3[%dma_wait3A_144, %dma_wait3A_145] : memref<1000000x32xf32, #tpu.memory_space<hbm>> -> memref<1000000x32xf32, #tpu.memory_space<hbm>>
      tpu.wait_indirect_dma semaphore(%arg8 : memref<!tpu.dma_semaphore, #tpu.memory_space<semaphore_mem>>) src(%dma_wait3A_146 : memref<1000000x32xf32, #tpu.memory_space<hbm>>) dst(%arg7 : memref<128x32xf32, #tpu.memory_space<vmem>>)
      %dma_wait3A_147 = arith.constant 185 : i32
      %dma_wait3A_148 = arith.constant 0 : i32
      %dma_wait3A_149 = tpu.memref_slice %arg6[%dma_wait3A_147, %dma_wait3A_148] : memref<200x128xi32, #tpu.memory_space<vmem>> -> memref<1x128xi32, #tpu.memory_space<vmem>>
      %dma_wait3A_150 = tpu.memref_squeeze %dma_wait3A_149 : memref<1x128xi32, #tpu.memory_space<vmem>> -> memref<128xi32, #tpu.memory_space<vmem>>
      %dma_wait3A_151 = arith.constant 0 : i32
      %dma_wait3A_152 = arith.constant 0 : i32
      %dma_wait3A_153 = tpu.memref_slice %arg3[%dma_wait3A_151, %dma_wait3A_152] : memref<1000000x32xf32, #tpu.memory_space<hbm>> -> memref<1000000x32xf32, #tpu.memory_space<hbm>>
      tpu.wait_indirect_dma semaphore(%arg8 : memref<!tpu.dma_semaphore, #tpu.memory_space<semaphore_mem>>) src(%dma_wait3A_153 : memref<1000000x32xf32, #tpu.memory_space<hbm>>) dst(%arg7 : memref<128x32xf32, #tpu.memory_space<vmem>>)
      %dma_wait3A_154 = arith.constant 186 : i32
      %dma_wait3A_155 = arith.constant 0 : i32
      %dma_wait3A_156 = tpu.memref_slice %arg6[%dma_wait3A_154, %dma_wait3A_155] : memref<200x128xi32, #tpu.memory_space<vmem>> -> memref<1x128xi32, #tpu.memory_space<vmem>>
      %dma_wait3A_157 = tpu.memref_squeeze %dma_wait3A_156 : memref<1x128xi32, #tpu.memory_space<vmem>> -> memref<128xi32, #tpu.memory_space<vmem>>
      %dma_wait3A_158 = arith.constant 0 : i32
      %dma_wait3A_159 = arith.constant 0 : i32
      %dma_wait3A_160 = tpu.memref_slice %arg3[%dma_wait3A_158, %dma_wait3A_159] : memref<1000000x32xf32, #tpu.memory_space<hbm>> -> memref<1000000x32xf32, #tpu.memory_space<hbm>>
      tpu.wait_indirect_dma semaphore(%arg8 : memref<!tpu.dma_semaphore, #tpu.memory_space<semaphore_mem>>) src(%dma_wait3A_160 : memref<1000000x32xf32, #tpu.memory_space<hbm>>) dst(%arg7 : memref<128x32xf32, #tpu.memory_space<vmem>>)
      %dma_wait3A_161 = arith.constant 187 : i32
      %dma_wait3A_162 = arith.constant 0 : i32
      %dma_wait3A_163 = tpu.memref_slice %arg6[%dma_wait3A_161, %dma_wait3A_162] : memref<200x128xi32, #tpu.memory_space<vmem>> -> memref<1x128xi32, #tpu.memory_space<vmem>>
      %dma_wait3A_164 = tpu.memref_squeeze %dma_wait3A_163 : memref<1x128xi32, #tpu.memory_space<vmem>> -> memref<128xi32, #tpu.memory_space<vmem>>
      %dma_wait3A_165 = arith.constant 0 : i32
      %dma_wait3A_166 = arith.constant 0 : i32
      %dma_wait3A_167 = tpu.memref_slice %arg3[%dma_wait3A_165, %dma_wait3A_166] : memref<1000000x32xf32, #tpu.memory_space<hbm>> -> memref<1000000x32xf32, #tpu.memory_space<hbm>>
      tpu.wait_indirect_dma semaphore(%arg8 : memref<!tpu.dma_semaphore, #tpu.memory_space<semaphore_mem>>) src(%dma_wait3A_167 : memref<1000000x32xf32, #tpu.memory_space<hbm>>) dst(%arg7 : memref<128x32xf32, #tpu.memory_space<vmem>>)
      %dma_wait3A_168 = arith.constant 188 : i32
      %dma_wait3A_169 = arith.constant 0 : i32
      %dma_wait3A_170 = tpu.memref_slice %arg6[%dma_wait3A_168, %dma_wait3A_169] : memref<200x128xi32, #tpu.memory_space<vmem>> -> memref<1x128xi32, #tpu.memory_space<vmem>>
      %dma_wait3A_171 = tpu.memref_squeeze %dma_wait3A_170 : memref<1x128xi32, #tpu.memory_space<vmem>> -> memref<128xi32, #tpu.memory_space<vmem>>
      %dma_wait3A_172 = arith.constant 0 : i32
      %dma_wait3A_173 = arith.constant 0 : i32
      %dma_wait3A_174 = tpu.memref_slice %arg3[%dma_wait3A_172, %dma_wait3A_173] : memref<1000000x32xf32, #tpu.memory_space<hbm>> -> memref<1000000x32xf32, #tpu.memory_space<hbm>>
      tpu.wait_indirect_dma semaphore(%arg8 : memref<!tpu.dma_semaphore, #tpu.memory_space<semaphore_mem>>) src(%dma_wait3A_174 : memref<1000000x32xf32, #tpu.memory_space<hbm>>) dst(%arg7 : memref<128x32xf32, #tpu.memory_space<vmem>>)
      %dma_wait3A_175 = arith.constant 189 : i32
      %dma_wait3A_176 = arith.constant 0 : i32
      %dma_wait3A_177 = tpu.memref_slice %arg6[%dma_wait3A_175, %dma_wait3A_176] : memref<200x128xi32, #tpu.memory_space<vmem>> -> memref<1x128xi32, #tpu.memory_space<vmem>>
      %dma_wait3A_178 = tpu.memref_squeeze %dma_wait3A_177 : memref<1x128xi32, #tpu.memory_space<vmem>> -> memref<128xi32, #tpu.memory_space<vmem>>
      %dma_wait3A_179 = arith.constant 0 : i32
      %dma_wait3A_180 = arith.constant 0 : i32
      %dma_wait3A_181 = tpu.memref_slice %arg3[%dma_wait3A_179, %dma_wait3A_180] : memref<1000000x32xf32, #tpu.memory_space<hbm>> -> memref<1000000x32xf32, #tpu.memory_space<hbm>>
      tpu.wait_indirect_dma semaphore(%arg8 : memref<!tpu.dma_semaphore, #tpu.memory_space<semaphore_mem>>) src(%dma_wait3A_181 : memref<1000000x32xf32, #tpu.memory_space<hbm>>) dst(%arg7 : memref<128x32xf32, #tpu.memory_space<vmem>>)
      %dma_wait3A_182 = arith.constant 190 : i32
      %dma_wait3A_183 = arith.constant 0 : i32
      %dma_wait3A_184 = tpu.memref_slice %arg6[%dma_wait3A_182, %dma_wait3A_183] : memref<200x128xi32, #tpu.memory_space<vmem>> -> memref<1x128xi32, #tpu.memory_space<vmem>>
      %dma_wait3A_185 = tpu.memref_squeeze %dma_wait3A_184 : memref<1x128xi32, #tpu.memory_space<vmem>> -> memref<128xi32, #tpu.memory_space<vmem>>
      %dma_wait3A_186 = arith.constant 0 : i32
      %dma_wait3A_187 = arith.constant 0 : i32
      %dma_wait3A_188 = tpu.memref_slice %arg3[%dma_wait3A_186, %dma_wait3A_187] : memref<1000000x32xf32, #tpu.memory_space<hbm>> -> memref<1000000x32xf32, #tpu.memory_space<hbm>>
      tpu.wait_indirect_dma semaphore(%arg8 : memref<!tpu.dma_semaphore, #tpu.memory_space<semaphore_mem>>) src(%dma_wait3A_188 : memref<1000000x32xf32, #tpu.memory_space<hbm>>) dst(%arg7 : memref<128x32xf32, #tpu.memory_space<vmem>>)
      %dma_wait3A_189 = arith.constant 191 : i32
      %dma_wait3A_190 = arith.constant 0 : i32
      %dma_wait3A_191 = tpu.memref_slice %arg6[%dma_wait3A_189, %dma_wait3A_190] : memref<200x128xi32, #tpu.memory_space<vmem>> -> memref<1x128xi32, #tpu.memory_space<vmem>>
      %dma_wait3A_192 = tpu.memref_squeeze %dma_wait3A_191 : memref<1x128xi32, #tpu.memory_space<vmem>> -> memref<128xi32, #tpu.memory_space<vmem>>
      %dma_wait3A_193 = arith.constant 0 : i32
      %dma_wait3A_194 = arith.constant 0 : i32
      %dma_wait3A_195 = tpu.memref_slice %arg3[%dma_wait3A_193, %dma_wait3A_194] : memref<1000000x32xf32, #tpu.memory_space<hbm>> -> memref<1000000x32xf32, #tpu.memory_space<hbm>>
      tpu.wait_indirect_dma semaphore(%arg8 : memref<!tpu.dma_semaphore, #tpu.memory_space<semaphore_mem>>) src(%dma_wait3A_195 : memref<1000000x32xf32, #tpu.memory_space<hbm>>) dst(%arg7 : memref<128x32xf32, #tpu.memory_space<vmem>>)
      %dma_wait3A_196 = arith.constant 192 : i32
      %dma_wait3A_197 = arith.constant 0 : i32
      %dma_wait3A_198 = tpu.memref_slice %arg6[%dma_wait3A_196, %dma_wait3A_197] : memref<200x128xi32, #tpu.memory_space<vmem>> -> memref<1x128xi32, #tpu.memory_space<vmem>>
      %dma_wait3A_199 = tpu.memref_squeeze %dma_wait3A_198 : memref<1x128xi32, #tpu.memory_space<vmem>> -> memref<128xi32, #tpu.memory_space<vmem>>
      %dma_wait3A_200 = arith.constant 0 : i32
      %dma_wait3A_201 = arith.constant 0 : i32
      %dma_wait3A_202 = tpu.memref_slice %arg3[%dma_wait3A_200, %dma_wait3A_201] : memref<1000000x32xf32, #tpu.memory_space<hbm>> -> memref<1000000x32xf32, #tpu.memory_space<hbm>>
      tpu.wait_indirect_dma semaphore(%arg8 : memref<!tpu.dma_semaphore, #tpu.memory_space<semaphore_mem>>) src(%dma_wait3A_202 : memref<1000000x32xf32, #tpu.memory_space<hbm>>) dst(%arg7 : memref<128x32xf32, #tpu.memory_space<vmem>>)
      %dma_wait3A_203 = arith.constant 193 : i32
      %dma_wait3A_204 = arith.constant 0 : i32
      %dma_wait3A_205 = tpu.memref_slice %arg6[%dma_wait3A_203, %dma_wait3A_204] : memref<200x128xi32, #tpu.memory_space<vmem>> -> memref<1x128xi32, #tpu.memory_space<vmem>>
      %dma_wait3A_206 = tpu.memref_squeeze %dma_wait3A_205 : memref<1x128xi32, #tpu.memory_space<vmem>> -> memref<128xi32, #tpu.memory_space<vmem>>
      %dma_wait3A_207 = arith.constant 0 : i32
      %dma_wait3A_208 = arith.constant 0 : i32
      %dma_wait3A_209 = tpu.memref_slice %arg3[%dma_wait3A_207, %dma_wait3A_208] : memref<1000000x32xf32, #tpu.memory_space<hbm>> -> memref<1000000x32xf32, #tpu.memory_space<hbm>>
      tpu.wait_indirect_dma semaphore(%arg8 : memref<!tpu.dma_semaphore, #tpu.memory_space<semaphore_mem>>) src(%dma_wait3A_209 : memref<1000000x32xf32, #tpu.memory_space<hbm>>) dst(%arg7 : memref<128x32xf32, #tpu.memory_space<vmem>>)
      %dma_wait3A_210 = arith.constant 194 : i32
      %dma_wait3A_211 = arith.constant 0 : i32
      %dma_wait3A_212 = tpu.memref_slice %arg6[%dma_wait3A_210, %dma_wait3A_211] : memref<200x128xi32, #tpu.memory_space<vmem>> -> memref<1x128xi32, #tpu.memory_space<vmem>>
      %dma_wait3A_213 = tpu.memref_squeeze %dma_wait3A_212 : memref<1x128xi32, #tpu.memory_space<vmem>> -> memref<128xi32, #tpu.memory_space<vmem>>
      %dma_wait3A_214 = arith.constant 0 : i32
      %dma_wait3A_215 = arith.constant 0 : i32
      %dma_wait3A_216 = tpu.memref_slice %arg3[%dma_wait3A_214, %dma_wait3A_215] : memref<1000000x32xf32, #tpu.memory_space<hbm>> -> memref<1000000x32xf32, #tpu.memory_space<hbm>>
      tpu.wait_indirect_dma semaphore(%arg8 : memref<!tpu.dma_semaphore, #tpu.memory_space<semaphore_mem>>) src(%dma_wait3A_216 : memref<1000000x32xf32, #tpu.memory_space<hbm>>) dst(%arg7 : memref<128x32xf32, #tpu.memory_space<vmem>>)
      %dma_wait3A_217 = arith.constant 195 : i32
      %dma_wait3A_218 = arith.constant 0 : i32
      %dma_wait3A_219 = tpu.memref_slice %arg6[%dma_wait3A_217, %dma_wait3A_218] : memref<200x128xi32, #tpu.memory_space<vmem>> -> memref<1x128xi32, #tpu.memory_space<vmem>>
      %dma_wait3A_220 = tpu.memref_squeeze %dma_wait3A_219 : memref<1x128xi32, #tpu.memory_space<vmem>> -> memref<128xi32, #tpu.memory_space<vmem>>
      %dma_wait3A_221 = arith.constant 0 : i32
      %dma_wait3A_222 = arith.constant 0 : i32
      %dma_wait3A_223 = tpu.memref_slice %arg3[%dma_wait3A_221, %dma_wait3A_222] : memref<1000000x32xf32, #tpu.memory_space<hbm>> -> memref<1000000x32xf32, #tpu.memory_space<hbm>>
      tpu.wait_indirect_dma semaphore(%arg8 : memref<!tpu.dma_semaphore, #tpu.memory_space<semaphore_mem>>) src(%dma_wait3A_223 : memref<1000000x32xf32, #tpu.memory_space<hbm>>) dst(%arg7 : memref<128x32xf32, #tpu.memory_space<vmem>>)
      %dma_wait3A_224 = arith.constant 196 : i32
      %dma_wait3A_225 = arith.constant 0 : i32
      %dma_wait3A_226 = tpu.memref_slice %arg6[%dma_wait3A_224, %dma_wait3A_225] : memref<200x128xi32, #tpu.memory_space<vmem>> -> memref<1x128xi32, #tpu.memory_space<vmem>>
      %dma_wait3A_227 = tpu.memref_squeeze %dma_wait3A_226 : memref<1x128xi32, #tpu.memory_space<vmem>> -> memref<128xi32, #tpu.memory_space<vmem>>
      %dma_wait3A_228 = arith.constant 0 : i32
      %dma_wait3A_229 = arith.constant 0 : i32
      %dma_wait3A_230 = tpu.memref_slice %arg3[%dma_wait3A_228, %dma_wait3A_229] : memref<1000000x32xf32, #tpu.memory_space<hbm>> -> memref<1000000x32xf32, #tpu.memory_space<hbm>>
      tpu.wait_indirect_dma semaphore(%arg8 : memref<!tpu.dma_semaphore, #tpu.memory_space<semaphore_mem>>) src(%dma_wait3A_230 : memref<1000000x32xf32, #tpu.memory_space<hbm>>) dst(%arg7 : memref<128x32xf32, #tpu.memory_space<vmem>>)
      %dma_wait3A_231 = arith.constant 197 : i32
      %dma_wait3A_232 = arith.constant 0 : i32
      %dma_wait3A_233 = tpu.memref_slice %arg6[%dma_wait3A_231, %dma_wait3A_232] : memref<200x128xi32, #tpu.memory_space<vmem>> -> memref<1x128xi32, #tpu.memory_space<vmem>>
      %dma_wait3A_234 = tpu.memref_squeeze %dma_wait3A_233 : memref<1x128xi32, #tpu.memory_space<vmem>> -> memref<128xi32, #tpu.memory_space<vmem>>
      %dma_wait3A_235 = arith.constant 0 : i32
      %dma_wait3A_236 = arith.constant 0 : i32
      %dma_wait3A_237 = tpu.memref_slice %arg3[%dma_wait3A_235, %dma_wait3A_236] : memref<1000000x32xf32, #tpu.memory_space<hbm>> -> memref<1000000x32xf32, #tpu.memory_space<hbm>>
      tpu.wait_indirect_dma semaphore(%arg8 : memref<!tpu.dma_semaphore, #tpu.memory_space<semaphore_mem>>) src(%dma_wait3A_237 : memref<1000000x32xf32, #tpu.memory_space<hbm>>) dst(%arg7 : memref<128x32xf32, #tpu.memory_space<vmem>>)
      %dma_wait3A_238 = arith.constant 198 : i32
      %dma_wait3A_239 = arith.constant 0 : i32
      %dma_wait3A_240 = tpu.memref_slice %arg6[%dma_wait3A_238, %dma_wait3A_239] : memref<200x128xi32, #tpu.memory_space<vmem>> -> memref<1x128xi32, #tpu.memory_space<vmem>>
      %dma_wait3A_241 = tpu.memref_squeeze %dma_wait3A_240 : memref<1x128xi32, #tpu.memory_space<vmem>> -> memref<128xi32, #tpu.memory_space<vmem>>
      %dma_wait3A_242 = arith.constant 0 : i32
      %dma_wait3A_243 = arith.constant 0 : i32
      %dma_wait3A_244 = tpu.memref_slice %arg3[%dma_wait3A_242, %dma_wait3A_243] : memref<1000000x32xf32, #tpu.memory_space<hbm>> -> memref<1000000x32xf32, #tpu.memory_space<hbm>>
      tpu.wait_indirect_dma semaphore(%arg8 : memref<!tpu.dma_semaphore, #tpu.memory_space<semaphore_mem>>) src(%dma_wait3A_244 : memref<1000000x32xf32, #tpu.memory_space<hbm>>) dst(%arg7 : memref<128x32xf32, #tpu.memory_space<vmem>>)
      %dma_wait3A_245 = arith.constant 199 : i32
      %dma_wait3A_246 = arith.constant 0 : i32
      %dma_wait3A_247 = tpu.memref_slice %arg6[%dma_wait3A_245, %dma_wait3A_246] : memref<200x128xi32, #tpu.memory_space<vmem>> -> memref<1x128xi32, #tpu.memory_space<vmem>>
      %dma_wait3A_248 = tpu.memref_squeeze %dma_wait3A_247 : memref<1x128xi32, #tpu.memory_space<vmem>> -> memref<128xi32, #tpu.memory_space<vmem>>
      %dma_wait3A_249 = arith.constant 0 : i32
      %dma_wait3A_250 = arith.constant 0 : i32
      %dma_wait3A_251 = tpu.memref_slice %arg3[%dma_wait3A_249, %dma_wait3A_250] : memref<1000000x32xf32, #tpu.memory_space<hbm>> -> memref<1000000x32xf32, #tpu.memory_space<hbm>>
      tpu.wait_indirect_dma semaphore(%arg8 : memref<!tpu.dma_semaphore, #tpu.memory_space<semaphore_mem>>) src(%dma_wait3A_251 : memref<1000000x32xf32, #tpu.memory_space<hbm>>) dst(%arg7 : memref<128x32xf32, #tpu.memory_space<vmem>>)
      "tpu.region"() ({
        %run_scoped3A = tpu.sem_alloc : memref<!tpu.dma_semaphore, #tpu.memory_space<semaphore_mem>>
        %dma_start3A = arith.constant 0 : i32
        %dma_start3A_253 = tpu.memref_slice %arg4[%add3A_14, %dma_start3A] : memref<16384x32xf32, #tpu.memory_space<hbm>> -> memref<128x32xf32, #tpu.memory_space<hbm>>
        %dma_start3A_254 = arith.constant 0 : i32
        %dma_start3A_255 = tpu.memref_slice %arg4[%add3A_14, %dma_start3A_254] : memref<16384x32xf32, #tpu.memory_space<hbm>> -> memref<128x32xf32, #tpu.memory_space<hbm>>
        tpu.enqueue_dma source(%arg7 : memref<128x32xf32, #tpu.memory_space<vmem>>) target(%dma_start3A_255 : memref<128x32xf32, #tpu.memory_space<hbm>>) target_semaphore(%run_scoped3A : memref<!tpu.dma_semaphore, #tpu.memory_space<semaphore_mem>>)
        %dma_wait3A_256 = arith.constant 0 : i32
        %dma_wait3A_257 = tpu.memref_slice %arg4[%add3A_14, %dma_wait3A_256] : memref<16384x32xf32, #tpu.memory_space<hbm>> -> memref<128x32xf32, #tpu.memory_space<hbm>>
        %dma_wait3A_258 = arith.constant 0 : i32
        %dma_wait3A_259 = tpu.memref_slice %arg4[%add3A_14, %dma_wait3A_258] : memref<16384x32xf32, #tpu.memory_space<hbm>> -> memref<128x32xf32, #tpu.memory_space<hbm>>
        tpu.wait_dma2 semaphore(%run_scoped3A : memref<!tpu.dma_semaphore, #tpu.memory_space<semaphore_mem>>) src(%arg7 : memref<128x32xf32, #tpu.memory_space<vmem>>) dst(%dma_wait3A_259 : memref<128x32xf32, #tpu.memory_space<hbm>>)
        tpu.yield
      }) : () -> ()
      %scan3A_252 = arith.constant 0 : i32
      scf.yield %scan3A_252 : i32
    }
    %scan3A_9 = arith.constant 4 : i32
    return
  }
}

module attributes {stable_mosaic.version = 14 : i64} {
  func.func @_mlp_kernel(%arg0: i32, %arg1: memref<2048x32xf32, #tpu.memory_space<vmem>>, %arg2: memref<32x64xf32, #tpu.memory_space<vmem>>, %arg3: memref<1x64xf32, #tpu.memory_space<vmem>>, %arg4: memref<64x2xf32, #tpu.memory_space<vmem>>, %arg5: memref<1x2xf32, #tpu.memory_space<vmem>>, %arg6: memref<2048x2xf32, #tpu.memory_space<vmem>>) attributes {dimension_semantics = [#tpu.dimension_semantics<arbitrary>], iteration_bounds = array<i64: 8>, scalar_prefetch = 0 : i64, scratch_operands = 0 : i64, tpu.core_type = #tpu.core_type<tc>, window_params = [{transform_indices = @transform_0, window_bounds = array<i64: 2048, 32>}, {pipeline_mode = #tpu.pipeline_mode<synchronous>, transform_indices = @transform_1, window_bounds = array<i64: 32, 64>}, {pipeline_mode = #tpu.pipeline_mode<synchronous>, transform_indices = @transform_2, window_bounds = array<i64: 1, 64>}, {pipeline_mode = #tpu.pipeline_mode<synchronous>, transform_indices = @transform_3, window_bounds = array<i64: 64, 2>}, {pipeline_mode = #tpu.pipeline_mode<synchronous>, transform_indices = @transform_4, window_bounds = array<i64: 1, 2>}, {transform_indices = @transform_5, window_bounds = array<i64: 2048, 2>}]} {
    %get3A = arith.constant 0 : index
    %get3A_0 = arith.constant 0 : index
    %get3A_1 = vector.load %arg1[%get3A, %get3A_0] : memref<2048x32xf32, #tpu.memory_space<vmem>>, vector<2048x32xf32>
    %mul3A = arith.constant 5.000000e-03 : f32
    %mul3A_2 = vector.broadcast %mul3A : f32 to vector<2048x32xf32>
    %mul3A_3 = arith.mulf %get3A_1, %mul3A_2 : vector<2048x32xf32>
    %get3A_4 = arith.constant 0 : index
    %get3A_5 = arith.constant 0 : index
    %get3A_6 = vector.load %arg2[%get3A_4, %get3A_5] : memref<32x64xf32, #tpu.memory_space<vmem>>, vector<32x64xf32>
    %dot_general3A = arith.constant dense<0.000000e+00> : vector<2048x64xf32>
    %dot_general3A_7 = tpu.matmul %mul3A_3, %get3A_6, %dot_general3A {dimension_numbers = #tpu.dot_dimension_numbers<[1], [0], [0], [1], [0, 0, 1, 1], [], []>, transpose_lhs_hint = false} : vector<2048x32xf32>, vector<32x64xf32>, vector<2048x64xf32> -> vector<2048x64xf32>
    %get3A_8 = arith.constant 0 : index
    %get3A_9 = arith.constant 0 : index
    %get3A_10 = vector.load %arg3[%get3A_8, %get3A_9] : memref<1x64xf32, #tpu.memory_space<vmem>>, vector<1x64xf32>
    %add3A = vector.broadcast %get3A_10 : vector<1x64xf32> to vector<2048x64xf32>
    %add3A_11 = arith.addf %dot_general3A_7, %add3A : vector<2048x64xf32>
    %max3A = arith.constant 0.000000e+00 : f32
    %max3A_12 = vector.broadcast %max3A : f32 to vector<2048x64xf32>
    %max3A_13 = arith.maximumf %add3A_11, %max3A_12 : vector<2048x64xf32>
    %get3A_14 = arith.constant 0 : index
    %get3A_15 = arith.constant 0 : index
    %get3A_16 = vector.load %arg4[%get3A_14, %get3A_15] : memref<64x2xf32, #tpu.memory_space<vmem>>, vector<64x2xf32>
    %dot_general3A_17 = arith.constant dense<0.000000e+00> : vector<2048x2xf32>
    %dot_general3A_18 = tpu.matmul %max3A_13, %get3A_16, %dot_general3A_17 {dimension_numbers = #tpu.dot_dimension_numbers<[1], [0], [0], [1], [0, 0, 1, 1], [], []>, transpose_lhs_hint = false} : vector<2048x64xf32>, vector<64x2xf32>, vector<2048x2xf32> -> vector<2048x2xf32>
    %get3A_19 = arith.constant 0 : index
    %get3A_20 = arith.constant 0 : index
    %get3A_21 = vector.load %arg5[%get3A_19, %get3A_20] : memref<1x2xf32, #tpu.memory_space<vmem>>, vector<1x2xf32>
    %add3A_22 = vector.broadcast %get3A_21 : vector<1x2xf32> to vector<2048x2xf32>
    %add3A_23 = arith.addf %dot_general3A_18, %add3A_22 : vector<2048x2xf32>
    %neg3A = arith.constant 0.000000e+00 : f32
    %neg3A_24 = vector.broadcast %neg3A : f32 to vector<2048x2xf32>
    %neg3A_25 = arith.subf %neg3A_24, %add3A_23 : vector<2048x2xf32>
    %exp3A = math.exp %neg3A_25 : vector<2048x2xf32>
    %add3A_26 = arith.constant 1.000000e+00 : f32
    %add3A_27 = vector.broadcast %add3A_26 : f32 to vector<2048x2xf32>
    %add3A_28 = arith.addf %add3A_27, %exp3A : vector<2048x2xf32>
    %div3A = arith.constant 1.000000e+00 : f32
    %div3A_29 = vector.broadcast %div3A : f32 to vector<2048x2xf32>
    %div3A_30 = arith.divf %div3A_29, %add3A_28 : vector<2048x2xf32>
    %swap3A = arith.constant 0 : index
    %swap3A_31 = arith.constant 0 : index
    %swap3A_32 = vector.load %arg6[%swap3A, %swap3A_31] : memref<2048x2xf32, #tpu.memory_space<vmem>>, vector<2048x2xf32>
    tpu.vector_store %arg6[%swap3A, %swap3A_31], %div3A_30 {strides = array<i32>} : memref<2048x2xf32, #tpu.memory_space<vmem>>, vector<2048x2xf32>,
    return
  }
  func.func @transform_0(%arg0: i32) -> (i32, i32) {
    %c0_i32 = arith.constant 0 : i32
    %c0_i32_0 = arith.constant 0 : i32
    return %arg0, %c0_i32 : i32, i32
  }
  func.func @transform_1(%arg0: i32) -> (i32, i32) {
    %c0_i32 = arith.constant 0 : i32
    %c0_i32_0 = arith.constant 0 : i32
    %c0_i32_1 = arith.constant 0 : i32
    return %c0_i32, %c0_i32_0 : i32, i32
  }
  func.func @transform_2(%arg0: i32) -> (i32, i32) {
    %c0_i32 = arith.constant 0 : i32
    %c0_i32_0 = arith.constant 0 : i32
    %c0_i32_1 = arith.constant 0 : i32
    return %c0_i32, %c0_i32_0 : i32, i32
  }
  func.func @transform_3(%arg0: i32) -> (i32, i32) {
    %c0_i32 = arith.constant 0 : i32
    %c0_i32_0 = arith.constant 0 : i32
    %c0_i32_1 = arith.constant 0 : i32
    return %c0_i32, %c0_i32_0 : i32, i32
  }
  func.func @transform_4(%arg0: i32) -> (i32, i32) {
    %c0_i32 = arith.constant 0 : i32
    %c0_i32_0 = arith.constant 0 : i32
    %c0_i32_1 = arith.constant 0 : i32
    return %c0_i32, %c0_i32_0 : i32, i32
  }
  func.func @transform_5(%arg0: i32) -> (i32, i32) {
    %c0_i32 = arith.constant 0 : i32
    %c0_i32_0 = arith.constant 0 : i32
    return %arg0, %c0_i32 : i32, i32
  }
}

</mosaic_0001>

<sc_bundles>
// kernel: kernel.4.cloned.1.call-start
scs
__scs_entry_jumppad:
0x0: {  	(pc) =	sbr.rel $0x88, $3  }
0x1: {  	(tag) =	ssettag $0x0;
	lr =	simm.s32 $0x1  }
0x2: {  	[smem:$0x3F9B] =	sst lr;
	_ =	strace $0xD0000000  }
0x3: {  	_ = 	snop  }
0x4: {  	_ = 	snop  }
0x5: {  	_ = 	snop  }
0x6: {  	_ = 	snop  }
0x7: {  	_ = 	snop  }
__scs_overlays_trampoline_lowered:
0x8: {  	[smem:$0x3FAA] =	sst s0  }
0x9: {  	[smem:$0x3FAB] =	sst s1  }
0xa: {  	[smem:$0x3FAC] =	sst s2  }
0xb: {  	[smem:$0x3FAD] =	sst s3  }
0xc: {  	[smem:$0x3FAE] =	sst s4  }
0xd: {  	[smem:$0x3FAF] =	sst s5  }
0xe: {  	[smem:$0x3FB0] =	sst s6  }
0xf: {  	[smem:$0x3FB1] =	sst s7  }
0x10: {  	[smem:$0x3FB2] =	sst s8  }
0x11: {  	[smem:$0x3FB3] =	sst s9;
	s0 =	simm.s32 @!p0 $0x0  }
0x12: {  	s1 =	sld [smem:$0x3F99];
	s0 =	simm.s32 @p0 $0x1  }
0x13: {  	[smem:$0x3FB4] =	sst s0;
	s0 =	simm.s32 @!p1 $0x0  }
0x14: {  	s2 =	sld [smem:$0x3F98];
	s0 =	simm.s32 @p1 $0x1  }
0x15: {  	[smem:$0x3FB5] =	sst s0;
	s0 =	simm.s32 @!p2 $0x0  }
0x16: {  	s3 =	sld [smem:$0x3FDB];
	s0 =	simm.s32 @p2 $0x1  }
0x17: {  	s4 =	simm.s32 $0x1BF5;
	[smem:$0x3FB7] =	sst s0  }
0x18: {  	s0 =	sld [smem:$0x3F9A];
	_ =	swait.ge [sflag:s4], $0x0  }
0x19: {  	s7 =	sld [smem:$0x3F9B]  }
0x1a: {  	s8 =	sadd.s32 $0xFFFFE003, lr  }
0x1b: {  	s9 =	sadd.s32 $0xFFFFFEF7, lr;
	s5 =	simm.s32 $0xFFFFFFFF;
	p2 =	slt.u32 s8, $0xFFFFF086  }
0x1c: {  	p1 =	slt.u32 s9, $0xF7A;
	s5 =	simm.s32 @!p2 $0x0  }
0x1d: {  	s5 =	simm.s32 @p1 $0x1;
	p0 =	seq.s32 s7, s2  }
0x1e: {  	s7 =	smul.u32 @!p0 $0xF7A, s2;
	p2 =	seq.s32 @!p0 s5, $0x0  }
0x1f: {  	s9 =	smul.u32 $0xF7A, s1;
	s8 =	simm.s32 @!p0 $0x1BF5;
	p2 =	por !p2, p0  }
0x20: {  	[sflag:s8] =	ssyncset.s32 @!p0 $0xFFFFF086;
	s6 =	sadd.s32 @!p0 s3, s7;
	s7 =	simm.s32 @!p0 $0x108  }
0x21: {  	s3 =	sadd.s32 s3, s9;
	s6 =	sadd.s32 @!p0 $0x88, s6;
	s7 =	simm.s32 @p2 $0x1082  }
0x22: {  	[simem:s7], [sflag:s8] =	dma.local @!p0 [hbm:s6], $0xF7A  }
0x23: {  	s9 =	sor.u32 $0xD0000000, s2;
	s6 =	simm.s32 $0x108;
	_ =	swait.ge @!p0 [sflag:s8], $0x0  }
0x24: {  	s3 =	sadd.s32 $0x88, s3;
	s6 =	simm.s32 @!p1 $0x1082;
	[sflag:s4] =	ssyncset.s32 $0xFFFFF086  }
0x25: {  	[simem:s6], [sflag:s4] =	dma.local [hbm:s3], $0xF7A  }
0x26: {  	[smem:$0x3F9B] =	sst s1;
	(tag) =	ssettag s2;
	_ =	strace s9  }
0x27: {  	s1 =	sld [smem:$0x3FAB]  }
0x28: {  	s2 =	sld [smem:$0x3FAC]  }
0x29: {  	s4 =	sld [smem:$0x3FAE]  }
0x2a: {  	p0 =	seq.s32 s5, $0x0;
	s5 =	sld [smem:$0x3FAF]  }
0x2b: {  	s6 =	sld [smem:$0x3FB0]  }
0x2c: {  	s7 =	sld [smem:$0x3FB1]  }
0x2d: {  	s3 =	simm.s32 $0x108;
	s8 =	sld [smem:$0x3FB2]  }
0x2e: {  	s3 =	simm.s32 @!p0 $0x1082;
	s9 =	sld [smem:$0x3FB3]  }
0x2f: {  	lr =	sadd.s32 s0, s3;
	s0 =	sld [smem:$0x3FAA]  }
0x30: {  	s3 =	sld [smem:$0x3FAD]  }
0x31: {  	[smem:$0x3FB6] =	sst s10  }
0x32: {  	s10 =	sld [smem:$0x3FB4];
	_ =	sdelay $0x3  }
0x33: {  	p0 =	seq.s32 s10, $0x1;
	s10 =	sld [smem:$0x3FB6];
	_ =	sdelay $0x3  }
0x34: {  	[smem:$0x3FB6] =	sst s10  }
0x35: {  	s10 =	sld [smem:$0x3FB5];
	_ =	sdelay $0x3  }
0x36: {  	p1 =	seq.s32 s10, $0x1;
	s10 =	sld [smem:$0x3FB6];
	_ =	sdelay $0x3  }
0x37: {  	[smem:$0x3FB6] =	sst s10  }
0x38: {  	s10 =	sld [smem:$0x3FB7]  }
0x39: {  	_ = 	snop;
	(pc) =	sbr.ind lr, $3  }
0x3a: {  	_ = 	snop  }
0x3b: {  	_ = 	snop  }
0x3c: {  	p2 =	seq.s32 s10, $0x1;
	s10 =	sld [smem:$0x3FB6]  }
0x3d: {  	_ =	shalt  }
0x3e: {  	_ =	shalt  }
0x3f: {  	_ =	shalt  }
0x40: {  	_ =	shalt  }
0x41: {  	_ =	shalt  }
0x42: {  	_ =	shalt  }
0x43: {  	_ =	shalt  }
0x44: {  	_ =	shalt  }
0x45: {  	_ =	shalt  }
0x46: {  	_ =	shalt  }
0x47: {  	_ =	shalt  }
0x48: {  	_ =	shalt  }
0x49: {  	_ =	shalt  }
0x4a: {  	_ =	shalt  }
0x4b: {  	_ =	shalt  }
0x4c: {  	_ =	shalt  }
0x4d: {  	_ =	shalt  }
0x4e: {  	_ =	shalt  }
0x4f: {  	_ =	shalt  }
0x50: {  	_ =	shalt  }
0x51: {  	_ =	shalt  }
0x52: {  	_ =	shalt  }
0x53: {  	_ =	shalt  }
0x54: {  	_ =	shalt  }
0x55: {  	_ =	shalt  }
0x56: {  	_ =	shalt  }
0x57: {  	_ =	shalt  }
0x58: {  	_ =	shalt  }
0x59: {  	_ =	shalt  }
0x5a: {  	_ =	shalt  }
0x5b: {  	_ =	shalt  }
0x5c: {  	_ =	shalt  }
0x5d: {  	_ =	shalt  }
0x5e: {  	_ =	shalt  }
0x5f: {  	_ =	shalt  }
0x60: {  	_ =	shalt  }
0x61: {  	_ =	shalt  }
0x62: {  	_ =	shalt  }
0x63: {  	_ =	shalt  }
0x64: {  	_ =	shalt  }
0x65: {  	_ =	shalt  }
0x66: {  	_ =	shalt  }
0x67: {  	_ =	shalt  }
0x68: {  	_ =	shalt  }
0x69: {  	_ =	shalt  }
0x6a: {  	_ =	shalt  }
0x6b: {  	_ =	shalt  }
0x6c: {  	_ =	shalt  }
0x6d: {  	_ =	shalt  }
0x6e: {  	_ =	shalt  }
0x6f: {  	_ =	shalt  }
0x70: {  	_ =	shalt  }
0x71: {  	_ =	shalt  }
0x72: {  	_ =	shalt  }
0x73: {  	_ =	shalt  }
0x74: {  	_ =	shalt  }
0x75: {  	_ =	shalt  }
0x76: {  	_ =	shalt  }
0x77: {  	_ =	shalt  }
0x78: {  	_ =	shalt  }
0x79: {  	_ =	shalt  }
0x7a: {  	_ =	shalt  }
0x7b: {  	_ =	shalt  }
0x7c: {  	_ =	shalt  }
0x7d: {  	_ =	shalt  }
0x7e: {  	_ =	shalt  }
0x7f: {  	_ =	shalt  }
0x80: {  	_ =	shalt  }
0x81: {  	_ =	shalt  }
0x82: {  	_ =	shalt  }
0x83: {  	_ =	shalt  }
0x84: {  	_ =	shalt  }
0x85: {  	_ =	shalt  }
0x86: {  	_ =	shalt  }
0x87: {  	_ =	shalt  }
.Lfunc_end0:
.L_simem_size_0:
called_computation_lowered:
.L_overlay_start_0:
0x88: {  	s2 =	sld [smem:$0x3FD9]  }
0x89: {  	s3 =	sld [smem:$0x3FFE];
	_ =	sdelay $0x1  }
0x8a: {  	s1 =	srdreg.scid  }
0x8b: {  	s0 =	sand.u32 $0x1, s1  }
0x8c: {  	s16 =	sshll.u32 s0, $0xA;
	s2 =	sadd.s32 s3, s2  }
0x8d: {  	s2 =	sadd.s32 s2, s16  }
0x8e: {  	[smem:$0x3FC2] =	sst s2  }
0x8f: {  	_ = 	snop  }
0x90: {  	(tm) =	ssettm $0x1  }
0x91: {  	s17 =	sld [smem:$0x3FFB];
	_ =	sdelay $0x3  }
0x92: {  	_ =	strace s17  }
0x93: {  	s2 =	sld [smem:$0x3FFC];
	_ =	sdelay $0x3  }
0x94: {  	_ =	strace s2  }
0x95: {  	s2 =	sld [smem:$0x3FFD];
	_ =	sdelay $0x3  }
0x96: {  	_ =	strace s2  }
0x97: {  	_ =	strace $0x8FFFFFFF  }
0x98: {  	s18 =	sld [smem:$0x3FDB];
	_ =	sdelay $0x1  }
0x99: {  	s19 =	simm.s32 $_scs_section_size  }
0x9a: {  	s4 =	simm.s32 $_size__tile_overlayer_lowered;
	s5 =	simm.s32 $_tile_overlayer_lowered  }
0x9b: {  	s22 =	simm.s32 $0x1BFF;
	s21 =	sshll.u32 s5, $0x1;
	s2 =	sadd.s32 s19, s18  }
0x9c: {  	s6 =	simm.s32 $0x0;
	s20 =	sshll.u32 s4, $0x1;
	s4 =	sadd.s32 s21, s2  }
0x9d: {  	[timem:s6], [sflag:s22] =	dma.local [hbm:s4], s20  }
0x9e: {  	_ =	swait.ge [sflag:s22], s20  }
0x9f: {  	s3 =	ssub.s32 $0x0, s20;
	[sflag:s22] =	ssyncset.done $0x0  }
0xa0: {  	[sflag:s22] =	ssyncadd.s32 s3;
	_ =	sdelay $0x1  }
0xa1: {  	s23 =	simm.s32 $0x1B8B  }
0xa2: {  	_ =	swait.ge [sflag:s23], $0x1  }
0xa3: {  	[sflag:s23] =	ssyncset.done $0x0  }
0xa4: {  	s25 =	simm.s32 $0x1B8E;
	s24 =	sld [smem:$0x3FFE];
	[sflag:s23] =	ssyncadd.s32 $0xFFFFFFFF  }
0xa5: {  	s26 =	simm.s32 $execute0_lowered;
	[smem:$0x3FD2] =	sst s25  }
0xa6: {  	s4 =	sshll.u32 s26, $0x1;
	_ =	strace $0x80000046;
	[dreg:$0x1] =	wrdreg $0xFFFFFFFF  }
0xa7: {  	s28 =	simm.s32 $_size_execute0_lowered;
	s2 =	sadd.s32 s2, s4;
	[dreg:$0x0] =	wrdreg $0x0  }
0xa8: {  	s4 =	sshll.u32 s28, $0x1;
	[dreg:$0x2] =	wrdreg s2  }
0xa9: {  	[dreg:$0x3] =	wrdreg s4  }
0xaa: {  	[dreg:$0x4] =	wrdreg $0xC0  }
0xab: {  	_ =	task [dreg:s6], $0x5FFFF  }
0xac: {  	[dreg:$0x1] =	wrdreg $0xFFFFFFFF  }
0xad: {  	[dreg:$0x0] =	wrdreg $0x60  }
0xae: {  	[dreg:$0x2] =	wrdreg s24  }
0xaf: {  	[dreg:$0x3] =	wrdreg $0x9  }
0xb0: {  	_ =	task.clear_ibuf [dreg:s6], $0x4FFFF;
	_ =	strace $0x90000046  }
0xb1: {  	s29 =	simm.s32 $0x9;
	_ =	strace $0x80000048  }
0xb2: {  	_ =	swait.ge [sflag:s29], $0x1  }
0xb3: {  	[sflag:s29] =	ssyncadd.s32 $0xFFFFFFFF  }
0xb4: {  	_ =	strace $0x90000048  }
0xb5: {  	_ =	sfence  }
0xb6: {  	s30 =	sld [smem:$0x0];
	_ =	sdelay $0x2  }
0xb7: {  	s31 =	sshll.u32 s1, $0xD;
	s1 =	sshrl.u32 s1, $0x2  }
0xb8: {  	s3 =	sand.u32 $0x4000, s31;
	s1 =	sadd.s32 s1, s30  }
0xb9: {  	s0 =	sor.u32 s3, s0;
	s1 =	sshll.u32 s1, $0x11  }
0xba: {  	s0 =	sor.u32 s1, s0  }
0xbb: {  	s0 =	sadd.s32 $0x8F2B, s0  }
0xbc: {  	[sflag:s0] =	ssyncadd.remote.s32 $0x1  }
0xbd: {  	_ =	sfence.sel $0xFFFF  }
0xbe: {  	[dreg:$0x0] =	wrdreg $0xFFFFFFFF;
	(pc) =	sbr.abs _section_cstart, $3  }
0xbf: {  	[dreg:$0x1] =	wrdreg $0xFFFFFFFF  }
0xc0: {  	_ =	task.clear_ibuf [dreg:s6], $0x2FFFF;
	_ =	strace $0x9FFFFFFF  }
0xc1: {  	(tm) =	ssettm $0x7FFFFFFF  }
tec
execute0_lowered:
.L_overlay_start_1:
0x0: {  	(tag) =	ssettag $0x1  }
0x1: {  	s5 =	rddreg [dreg:$0x0]  }
0x2: {  	s0 =	rddreg [dreg:$0x1]  }
0x3: {  	s1 =	simm.s32 $0x0;
	s2 =	srdreg.scid;
	s10 =	simm.s32 $0xC800  }
0x4: {  	v0 =	vlaneseq.u32;
	s11 =	simm.s32 $0x1;
	s12 =	simm.s32 $0x0;
	[smem:$0x7FF] =	sst s1  }
0x5: {  	s3 =	sadd.s32 $0xE00, s5;
	s6 =	sand.u32 $0x1, s2;
	s4 =	sadd.s32 $0xF43200, s5;
	v0 =	vmul.u32 $0xC8, v0  }
0x6: {  	s2 =	stileid.u32;
	s5 =	sadd.s32 $0x64E00, s5;
	s7 =	ssub.s32 $0x2, s6  }
0x7: {  	v1 =	vimm.f32 $0.0e+00;
	s9 =	sshll.u32 s2, $0xA;
	s6 =	sshll.u32 s6, $0x9;
	s8 =	sshrl.u32 s7, $0x1;
	v2 =	vadd.s32 $0xC80, v0  }
0x8: {  	_ =	strace $0x80000047;
	s6 =	sor.u32 s6, s9;
	v3 =	vadd.s32 $0x1900, v0;
	v4 =	vadd.s32 $0x2580, v0;
	v5 =	vadd.s32 $0x3200, v0;
	s7 =	ssub.s32 s7, s8  }
0x9: {  	s9 =	simm.s32 $0x80;
	v6 =	vadd.s32 $0x3E80, v0;
	v7 =	vadd.s32 $0x4B00, v0;
	v8 =	vadd.s32 $0x5780, v0;
	s8 =	simm.s32 $0x2;
	s7 =	smax.u32 s7, $0x1  }
.LBB2_1:
0xa: {  	s13 =	simm.s32 $0x0  }
.LBB2_2:
0xb: {  	s14 =	sshll.u32 s13, $0x7  }
0xc: {  	s14 =	sadd.s32 s6, s14  }
0xd: {  	s15 =	smul.u32 $0x19, s14;
	_ =	sdelay $0x1  }
0xe: {  	s16 =	sadd.s32 s3, s15;
	s15 =	simm.s32 $0x0  }
0xf: {  	[tilespmem:s15], [sflag:$0x2] =	stream.linear.gather [hbm4b:s16+s15], $0x6400, $0x38;
	[tilespmem:$0xD800] =	vst v63  }
0x10: {  	_ =	swait.ge [sflag:s8], $0x6400  }
0x11: {  	[sflag:s8] =	ssyncset.done $0x0  }
0x12: {  	s16 =	simm.s32 $0x0;
	[sflag:s8] =	ssyncadd.s32 $0xFFFF9C00  }
.LBB2_3:
0x13: {  	p0 =	sne.s32 s16, $0x3F80  }
.Ltmp0:
0x14: {  	_ = 	snop;
	(pc) =	sbr.rel @p0 .LBB2_3-.Ltmp0, $4  }
0x15: {  	_ = 	snop  }
0x16: {  	s17 =	sshra.s32 s16, $0x2  }
0x17: {  	[tilespmem:s17+$0xC800] =	vst v1  }
0x18: {  	s16 =	sadd.s32 $0x80, s16;
	[tilespmem:s17+$0xC810] =	vst v1  }
0x19: {  	v9 =	vmov s15  }
0x1a: {  	v9 =	vand.u32 $0xFF, v9  }
0x1b: {  	v10 =	vadd.s32 v0, v9;
	_ =	sdelay $0x4  }
0x1c: {  	v10 =	vld.idx.msk [tilespmem:v10+s1+$0x0], $0xffff  }
0x1d: {  	v11 =	vadd.s32 v2, v9;
	_ =	sdelay $0x2  }
0x1e: {  	s15 =	simm.s32 $0x6400  }
0x1f: {  	[tilespmem:s15+$0x0] =	vst v10  }
0x20: {  	v10 =	vld.idx.msk [tilespmem:v11+s1+$0x0], $0xffff  }
0x21: {  	v11 =	vadd.s32 v3, v9;
	_ =	sdelay $0x3  }
0x22: {  	[tilespmem:s15+$0x10] =	vst v10  }
0x23: {  	v10 =	vld.idx.msk [tilespmem:v11+s1+$0x0], $0xffff  }
0x24: {  	v11 =	vadd.s32 v4, v9;
	_ =	sdelay $0x3  }
0x25: {  	[tilespmem:s15+$0x20] =	vst v10  }
0x26: {  	v10 =	vld.idx.msk [tilespmem:v11+s1+$0x0], $0xffff  }
0x27: {  	v11 =	vadd.s32 v5, v9;
	_ =	sdelay $0x3  }
0x28: {  	[tilespmem:s15+$0x30] =	vst v10  }
0x29: {  	v10 =	vld.idx.msk [tilespmem:v11+s1+$0x0], $0xffff  }
0x2a: {  	v11 =	vadd.s32 v6, v9;
	_ =	sdelay $0x3  }
0x2b: {  	[tilespmem:s15+$0x40] =	vst v10  }
0x2c: {  	v10 =	vld.idx.msk [tilespmem:v11+s1+$0x0], $0xffff  }
0x2d: {  	v11 =	vadd.s32 v7, v9;
	_ =	sdelay $0x3  }
0x2e: {  	[tilespmem:s15+$0x50] =	vst v10  }
0x2f: {  	v10 =	vld.idx.msk [tilespmem:v11+s1+$0x0], $0xffff  }
0x30: {  	v9 =	vadd.s32 v8, v9;
	_ =	sdelay $0x3  }
0x31: {  	[tilespmem:s15+$0x60] =	vst v10  }
0x32: {  	v9 =	vld.idx.msk [tilespmem:v9+s1+$0x0], $0xffff;
	_ =	sdelay $0x3  }
0x33: {  	s16 =	simm.s32 $0x1  }
0x34: {  	p1 =	por $0x1, $0x1;
	[tilespmem:s15+$0x70] =	vst v9;
	v9 =	vmov s16  }
0x35: {  	s19 =	simm.s32 @!p1 $0x1;
	v9 =	vand.u32 $0xFF, v9  }
0x36: {  	[tilespmem:s10], [sflag:$0x1] =	stream.indirect.gather.add.f32 [hbm:s4], $0x20, s15, s9, $0xb8;
	v10 =	vadd.s32 v0, v9;
	[tilespmem:$0xD800] =	vst v63  }
0x37: {  	s17 =	simm.s32 $0x2;
	_ =	swait.ge @!p1 [sflag:s19], $0x1000  }
.LBB2_5:
0x38: {  	[sflag:s19] =	ssyncset.done @!p1 $0x0  }
0x39: {  	s15 =	sadd.s32 $0x80, s15;
	s18 =	smov.u32 s17;
	s17 =	sadd.s32 $0x1, s17  }
0x3a: {  	p0 =	sne.s32 s17, $0xC8;
	[sflag:s19] =	ssyncadd.s32 @!p1 $0xFFFFF000  }
0x3b: {  	v10 =	vld.idx.msk [tilespmem:v10+s1+$0x0], $0xffff  }
0x3c: {  	v11 =	vadd.s32 v2, v9;
	_ =	sdelay $0x4  }
0x3d: {  	[tilespmem:s15+$0x0] =	vst v10  }
0x3e: {  	v10 =	vld.idx.msk [tilespmem:v11+s1+$0x0], $0xffff  }
0x3f: {  	v11 =	vadd.s32 v3, v9;
	_ =	sdelay $0x4  }
0x40: {  	[tilespmem:s15+$0x10] =	vst v10  }
0x41: {  	v10 =	vld.idx.msk [tilespmem:v11+s1+$0x0], $0xffff  }
0x42: {  	v11 =	vadd.s32 v4, v9;
	_ =	sdelay $0x4  }
0x43: {  	[tilespmem:s15+$0x20] =	vst v10  }
0x44: {  	v10 =	vld.idx.msk [tilespmem:v11+s1+$0x0], $0xffff  }
0x45: {  	v11 =	vadd.s32 v5, v9;
	_ =	sdelay $0x4  }
0x46: {  	[tilespmem:s15+$0x30] =	vst v10  }
0x47: {  	v10 =	vld.idx.msk [tilespmem:v11+s1+$0x0], $0xffff  }
0x48: {  	v11 =	vadd.s32 v6, v9;
	_ =	sdelay $0x4  }
0x49: {  	[tilespmem:s15+$0x40] =	vst v10  }
0x4a: {  	v10 =	vld.idx.msk [tilespmem:v11+s1+$0x0], $0xffff  }
0x4b: {  	v11 =	vadd.s32 v7, v9;
	_ =	sdelay $0x4  }
0x4c: {  	[tilespmem:s15+$0x50] =	vst v10  }
0x4d: {  	v10 =	vld.idx.msk [tilespmem:v11+s1+$0x0], $0xffff  }
0x4e: {  	v9 =	vadd.s32 v8, v9;
	_ =	sdelay $0x4  }
0x4f: {  	[tilespmem:s15+$0x60] =	vst v10  }
0x50: {  	v11 =	vld.idx.msk [tilespmem:v9+s1+$0x0], $0xffff;
	_ =	sdelay $0x2  }
0x51: {  	v9 =	vmov s18  }
.Ltmp1:
0x52: {  	v9 =	vand.u32 $0xFF, v9;
	(pc) =	sbr.rel @p0 .LBB2_5-.Ltmp1, $4  }
0x53: {  	p1 =	slt.u32 s16, $0x20;
	s16 =	smov.u32 s18;
	v10 =	vadd.s32 v0, v9  }
0x54: {  	s19 =	simm.s32 @!p1 $0x1;
	[tilespmem:s15+$0x70] =	vst v11  }
0x55: {  	[tilespmem:s10], [sflag:$0x1] =	stream.indirect.gather.add.f32 [hbm:s4], $0x20, s15, s9, $0xb8;
	[tilespmem:$0xD800] =	vst v63  }
0x56: {  	_ =	swait.ge @!p1 [sflag:s19], $0x1000  }
0x57: {  	_ =	sdelay $0x1  }
0x58: {  	[sflag:s19] =	ssyncset.done @!p1 $0x0  }
0x59: {  	[sflag:s19] =	ssyncadd.s32 @!p1 $0xFFFFF000  }
0x5a: {  	v10 =	vld.idx.msk [tilespmem:v10+s1+$0x0], $0xffff  }
0x5b: {  	v11 =	vadd.s32 v2, v9;
	_ =	sdelay $0x2  }
0x5c: {  	s15 =	sadd.s32 $0x80, s15  }
0x5d: {  	[tilespmem:s15+$0x0] =	vst v10  }
0x5e: {  	v10 =	vld.idx.msk [tilespmem:v11+s1+$0x0], $0xffff  }
0x5f: {  	v11 =	vadd.s32 v3, v9;
	_ =	sdelay $0x3  }
0x60: {  	[tilespmem:s15+$0x10] =	vst v10  }
0x61: {  	v10 =	vld.idx.msk [tilespmem:v11+s1+$0x0], $0xffff  }
0x62: {  	v11 =	vadd.s32 v4, v9;
	_ =	sdelay $0x3  }
0x63: {  	[tilespmem:s15+$0x20] =	vst v10  }
0x64: {  	v10 =	vld.idx.msk [tilespmem:v11+s1+$0x0], $0xffff  }
0x65: {  	v11 =	vadd.s32 v5, v9;
	_ =	sdelay $0x3  }
0x66: {  	[tilespmem:s15+$0x30] =	vst v10  }
0x67: {  	v10 =	vld.idx.msk [tilespmem:v11+s1+$0x0], $0xffff  }
0x68: {  	v11 =	vadd.s32 v6, v9;
	_ =	sdelay $0x3  }
0x69: {  	[tilespmem:s15+$0x40] =	vst v10  }
0x6a: {  	v10 =	vld.idx.msk [tilespmem:v11+s1+$0x0], $0xffff  }
0x6b: {  	v11 =	vadd.s32 v7, v9;
	_ =	sdelay $0x3  }
0x6c: {  	[tilespmem:s15+$0x50] =	vst v10  }
0x6d: {  	v10 =	vld.idx.msk [tilespmem:v11+s1+$0x0], $0xffff  }
0x6e: {  	v9 =	vadd.s32 v8, v9;
	_ =	sdelay $0x3  }
0x6f: {  	[tilespmem:s15+$0x60] =	vst v10  }
0x70: {  	v9 =	vld.idx.msk [tilespmem:v9+s1+$0x0], $0xffff;
	_ =	sdelay $0x3  }
0x71: {  	p0 =	slt.u32 s16, $0x20  }
0x72: {  	s16 =	simm.s32 @!p0 $0x1;
	[tilespmem:s15+$0x70] =	vst v9  }
0x73: {  	[tilespmem:s10], [sflag:$0x1] =	stream.indirect.gather.add.f32 [hbm:s4], $0x20, s15, s9, $0xb8;
	[tilespmem:$0xD800] =	vst v63  }
0x74: {  	_ =	swait.ge @!p0 [sflag:s16], $0x1000  }
0x75: {  	[sflag:s16] =	ssyncset.done @!p0 $0x0  }
0x76: {  	[sflag:s16] =	ssyncadd.s32 @!p0 $0xFFFFF000  }
0x77: {  	_ =	swait.ge [sflag:s11], $0x1000  }
0x78: {  	[sflag:s11] =	ssyncset.done $0x0  }
0x79: {  	[sflag:s11] =	ssyncadd.s32 $0xFFFFF000  }
0x7a: {  	_ =	swait.ge [sflag:s11], $0x1000  }
0x7b: {  	[sflag:s11] =	ssyncset.done $0x0  }
0x7c: {  	[sflag:s11] =	ssyncadd.s32 $0xFFFFF000  }
0x7d: {  	_ =	swait.ge [sflag:s11], $0x1000  }
0x7e: {  	[sflag:s11] =	ssyncset.done $0x0  }
0x7f: {  	[sflag:s11] =	ssyncadd.s32 $0xFFFFF000  }
0x80: {  	_ =	swait.ge [sflag:s11], $0x1000  }
0x81: {  	[sflag:s11] =	ssyncset.done $0x0  }
0x82: {  	[sflag:s11] =	ssyncadd.s32 $0xFFFFF000  }
0x83: {  	_ =	swait.ge [sflag:s11], $0x1000  }
0x84: {  	[sflag:s11] =	ssyncset.done $0x0  }
0x85: {  	[sflag:s11] =	ssyncadd.s32 $0xFFFFF000  }
0x86: {  	_ =	swait.ge [sflag:s11], $0x1000  }
0x87: {  	[sflag:s11] =	ssyncset.done $0x0  }
0x88: {  	[sflag:s11] =	ssyncadd.s32 $0xFFFFF000  }
0x89: {  	_ =	swait.ge [sflag:s11], $0x1000  }
0x8a: {  	[sflag:s11] =	ssyncset.done $0x0  }
0x8b: {  	[sflag:s11] =	ssyncadd.s32 $0xFFFFF000  }
0x8c: {  	_ =	swait.ge [sflag:s11], $0x1000  }
0x8d: {  	[sflag:s11] =	ssyncset.done $0x0  }
0x8e: {  	[sflag:s11] =	ssyncadd.s32 $0xFFFFF000  }
0x8f: {  	_ =	swait.ge [sflag:s11], $0x1000  }
0x90: {  	[sflag:s11] =	ssyncset.done $0x0  }
0x91: {  	[sflag:s11] =	ssyncadd.s32 $0xFFFFF000  }
0x92: {  	_ =	swait.ge [sflag:s11], $0x1000  }
0x93: {  	[sflag:s11] =	ssyncset.done $0x0  }
0x94: {  	[sflag:s11] =	ssyncadd.s32 $0xFFFFF000  }
0x95: {  	_ =	swait.ge [sflag:s11], $0x1000  }
0x96: {  	[sflag:s11] =	ssyncset.done $0x0  }
0x97: {  	[sflag:s11] =	ssyncadd.s32 $0xFFFFF000  }
0x98: {  	_ =	swait.ge [sflag:s11], $0x1000  }
0x99: {  	[sflag:s11] =	ssyncset.done $0x0  }
0x9a: {  	[sflag:s11] =	ssyncadd.s32 $0xFFFFF000  }
0x9b: {  	_ =	swait.ge [sflag:s11], $0x1000  }
0x9c: {  	[sflag:s11] =	ssyncset.done $0x0  }
0x9d: {  	[sflag:s11] =	ssyncadd.s32 $0xFFFFF000  }
0x9e: {  	_ =	swait.ge [sflag:s11], $0x1000  }
0x9f: {  	[sflag:s11] =	ssyncset.done $0x0  }
0xa0: {  	[sflag:s11] =	ssyncadd.s32 $0xFFFFF000  }
0xa1: {  	_ =	swait.ge [sflag:s11], $0x1000  }
0xa2: {  	[sflag:s11] =	ssyncset.done $0x0  }
0xa3: {  	[sflag:s11] =	ssyncadd.s32 $0xFFFFF000  }
0xa4: {  	_ =	swait.ge [sflag:s11], $0x1000  }
0xa5: {  	[sflag:s11] =	ssyncset.done $0x0  }
0xa6: {  	[sflag:s11] =	ssyncadd.s32 $0xFFFFF000  }
0xa7: {  	_ =	swait.ge [sflag:s11], $0x1000  }
0xa8: {  	[sflag:s11] =	ssyncset.done $0x0  }
0xa9: {  	[sflag:s11] =	ssyncadd.s32 $0xFFFFF000  }
0xaa: {  	_ =	swait.ge [sflag:s11], $0x1000  }
0xab: {  	[sflag:s11] =	ssyncset.done $0x0  }
0xac: {  	[sflag:s11] =	ssyncadd.s32 $0xFFFFF000  }
0xad: {  	_ =	swait.ge [sflag:s11], $0x1000  }
0xae: {  	[sflag:s11] =	ssyncset.done $0x0  }
0xaf: {  	[sflag:s11] =	ssyncadd.s32 $0xFFFFF000  }
0xb0: {  	_ =	swait.ge [sflag:s11], $0x1000  }
0xb1: {  	[sflag:s11] =	ssyncset.done $0x0  }
0xb2: {  	[sflag:s11] =	ssyncadd.s32 $0xFFFFF000  }
0xb3: {  	_ =	swait.ge [sflag:s11], $0x1000  }
0xb4: {  	[sflag:s11] =	ssyncset.done $0x0  }
0xb5: {  	[sflag:s11] =	ssyncadd.s32 $0xFFFFF000  }
0xb6: {  	_ =	swait.ge [sflag:s11], $0x1000  }
0xb7: {  	[sflag:s11] =	ssyncset.done $0x0  }
0xb8: {  	[sflag:s11] =	ssyncadd.s32 $0xFFFFF000  }
0xb9: {  	_ =	swait.ge [sflag:s11], $0x1000  }
0xba: {  	[sflag:s11] =	ssyncset.done $0x0  }
0xbb: {  	[sflag:s11] =	ssyncadd.s32 $0xFFFFF000  }
0xbc: {  	_ =	swait.ge [sflag:s11], $0x1000  }
0xbd: {  	[sflag:s11] =	ssyncset.done $0x0  }
0xbe: {  	[sflag:s11] =	ssyncadd.s32 $0xFFFFF000  }
0xbf: {  	_ =	swait.ge [sflag:s11], $0x1000  }
0xc0: {  	[sflag:s11] =	ssyncset.done $0x0  }
0xc1: {  	[sflag:s11] =	ssyncadd.s32 $0xFFFFF000  }
0xc2: {  	_ =	swait.ge [sflag:s11], $0x1000  }
0xc3: {  	[sflag:s11] =	ssyncset.done $0x0  }
0xc4: {  	[sflag:s11] =	ssyncadd.s32 $0xFFFFF000  }
0xc5: {  	_ =	swait.ge [sflag:s11], $0x1000  }
0xc6: {  	[sflag:s11] =	ssyncset.done $0x0  }
0xc7: {  	[sflag:s11] =	ssyncadd.s32 $0xFFFFF000  }
0xc8: {  	_ =	swait.ge [sflag:s11], $0x1000  }
0xc9: {  	[sflag:s11] =	ssyncset.done $0x0  }
0xca: {  	[sflag:s11] =	ssyncadd.s32 $0xFFFFF000  }
0xcb: {  	_ =	swait.ge [sflag:s11], $0x1000  }
0xcc: {  	[sflag:s11] =	ssyncset.done $0x0  }
0xcd: {  	[sflag:s11] =	ssyncadd.s32 $0xFFFFF000  }
0xce: {  	_ =	swait.ge [sflag:s11], $0x1000  }
0xcf: {  	[sflag:s11] =	ssyncset.done $0x0  }
0xd0: {  	[sflag:s11] =	ssyncadd.s32 $0xFFFFF000  }
0xd1: {  	_ =	swait.ge [sflag:s11], $0x1000  }
0xd2: {  	[sflag:s11] =	ssyncset.done $0x0  }
0xd3: {  	[sflag:s11] =	ssyncadd.s32 $0xFFFFF000  }
0xd4: {  	s13 =	sadd.s32 $0x1, s13;
	_ =	swait.ge [sflag:s11], $0x1000  }
0xd5: {  	s14 =	sshll.u32 s14, $0x2;
	p0 =	sne.s32 s13, $0x4;
	[sflag:s11] =	ssyncset.done $0x0  }
.Ltmp2:
0xd6: {  	s14 =	sadd.s32 s5, s14;
	[sflag:s11] =	ssyncadd.s32 $0xFFFFF000;
	(pc) =	sbr.rel @p0 .LBB2_2-.Ltmp2, $4  }
0xd7: {  	[hbm4b:s14+s1] =	stream.linear.scatter [tilespmem:s10], [sflag:$0x2], $0x1000, $0x38;
	[tilespmem:$0xD800] =	vst v63  }
0xd8: {  	_ =	swait.ge [sflag:s8], $0x1000  }
0xd9: {  	[sflag:s8] =	ssyncset.done $0x0  }
0xda: {  	[sflag:s8] =	ssyncadd.s32 $0xFFFFF000  }
0xdb: {  	s12 =	sadd.s32 $0x1, s12  }
0xdc: {  	p0 =	sne.s32 s12, s7  }
.Ltmp3:
0xdd: {  	_ = 	snop;
	(pc) =	sbr.rel @p0 .LBB2_1-.Ltmp3, $1  }
0xde: {  	_ =	sdelay $0x3  }
0xdf: {  	_ =	sfence.sel $0x180000  }
0xe0: {  	[bflag:$0x0] =	sbarrier.arrive $0xFFFF  }
0xe1: {  	p0 =	sne.s32 s2, $0x0;
	_ =	strace $0x90000047  }
0xe2: {  	s0 =	sadd.s32 @!p0 $0x100000, s0;
	[bflag:$0x2] =	sbarrier.arrive $0xFFFF  }
0xe3: {  	[sflag:s0] =	ssyncadd.tile.s32 @!p0 $0x1;
	_ =	shalt  }
.Lfunc_end2:
_tile_overlayer_lowered:
.L_overlay_start_2:
0xe4: {  	(tag) =	ssettag $0x2  }
0xe5: {  	s0 =	rddreg [dreg:$0x0];
	s2 =	stileid.u32  }
0xe6: {  	s1 =	rddreg [dreg:$0x1];
	p0 =	sne.s32 s2, $0x0  }
0xe7: {  	s3 =	rddreg [dreg:$0x2];
	[bflag:$0x3] =	sbarrier.arrive $0xFFFF;
	s2 =	simm.s32 @!p0 $0x1C02  }
0xe8: {  	[timem:s3], [sflag:s2] =	dma.local @!p0 [hbm:s0], s1  }
0xe9: {  	s0 =	simm.s32 @!p0 $0x2  }
0xea: {  	_ =	swait.ge @!p0 [sflag:s0], s1  }
0xeb: {  	s1 =	ssub.s32 @!p0 $0x0, s1;
	[sflag:s0] =	ssyncset.done @!p0 $0x0  }
0xec: {  	[sflag:s0] =	ssyncadd.s32 @!p0 s1  }
0xed: {  	[bflag:$0x3] =	sbarrier.arrive $0xFFFF  }
0xee: {  	_ =	shalt  }

</sc_bundles>
